<compile_context>
chip_gen: v7x
topology: tpu7x:2x2x1
jax: 0.10.2.dev20260603
libtpu: 0.0.44.dev20260713+nightly
codegen_flags: <defaults>
</compile_context>

<pallas_src>
import functools

import jax
import jax.numpy as jnp
from jax import lax
from jax.experimental import pallas as pl
from jax.experimental.pallas import tpu as pltpu
from jax.experimental.pallas import tpu_sc as plsc

N = 10000
E = 320000
D = 128

NC = 2
NS = 16
NW = NC * NS
CHUNK = 128
NCH = 80
EPAD = NW * NCH * CHUNK
NPAIR = NCH // 2

NP = 10240
SP = NP // NS
STRIPE = 624
REM = N - NS * STRIPE

DGRP = 8
RB = 1000


def _sc_mesh():
    return plsc.VectorSubcoreMesh(
        core_axis_name="c", subcore_axis_name="s", num_cores=NC, num_subcores=NS
    )


def _segsum_body(y_hbm, src_hbm, dst_hbm, zrows_hbm, out_hbm,
                 acc_sh, idst, isrc0, isrc1, rows0, rows1,
                 sem_i0, sem_i1, sem_g0, sem_g1, sem_s0, sem_s1):
    c = lax.axis_index("c")
    s = lax.axis_index("s")
    wid = c * NS + s

    pltpu.sync_copy(dst_hbm.at[wid], idst)
    pltpu.sync_copy(zrows_hbm, acc_sh.at[pl.ds(s * SP, SP)])
    plsc.subcore_barrier()

    def start_iload(j, ibuf, sem):
        pltpu.async_copy(src_hbm.at[wid, j], ibuf, sem)

    def wait_iload(j, ibuf, sem):
        pltpu.make_async_copy(src_hbm.at[wid, j], ibuf, sem).wait()

    def start_gather(ibuf, buf, sem):
        pltpu.async_copy(y_hbm.at[ibuf], buf, sem)

    def wait_gather(ibuf, buf, sem):
        pltpu.make_async_copy(y_hbm.at[ibuf], buf, sem).wait()

    def start_scatter(j, buf, sem):
        pltpu.async_copy(buf, acc_sh.at[idst.at[j]], sem, add=True)

    def wait_scatter(j, buf, sem):
        pltpu.make_async_copy(buf, acc_sh.at[idst.at[j]], sem).wait()

    start_iload(0, isrc0, sem_i0)
    wait_iload(0, isrc0, sem_i0)
    start_gather(isrc0, rows0, sem_g0)
    start_iload(1, isrc1, sem_i1)

    def body(i, carry):
        a = 2 * i
        b = a + 1

        @pl.when(i > 0)
        def _drain_s_prev():
            wait_scatter(a - 1, rows1, sem_s1)

        wait_iload(b, isrc1, sem_i1)
        start_gather(isrc1, rows1, sem_g1)
        wait_gather(isrc0, rows0, sem_g0)

        @pl.when(i < NPAIR - 1)
        def _il_next0():
            start_iload(a + 2, isrc0, sem_i0)

        start_scatter(a, rows0, sem_s0)
        wait_scatter(a, rows0, sem_s0)

        @pl.when(i < NPAIR - 1)
        def _g_next0():
            wait_iload(a + 2, isrc0, sem_i0)
            start_gather(isrc0, rows0, sem_g0)

        wait_gather(isrc1, rows1, sem_g1)

        @pl.when(i < NPAIR - 1)
        def _il_next1():
            start_iload(b + 2, isrc1, sem_i1)

        start_scatter(b, rows1, sem_s1)
        return carry

    lax.fori_loop(0, NPAIR, body, 0)
    wait_scatter(NCH - 1, rows1, sem_s1)

    plsc.subcore_barrier()
    pltpu.sync_copy(acc_sh.at[pl.ds(s * STRIPE, STRIPE)],
                    out_hbm.at[c, pl.ds(s * STRIPE, STRIPE)])

    @pl.when(s == 0)
    def _write_rem():
        pltpu.sync_copy(acc_sh.at[pl.ds(NS * STRIPE, REM)],
                        out_hbm.at[c, pl.ds(NS * STRIPE, REM)])


@functools.cache
def _segsum_kernel():
    return pl.kernel(
        _segsum_body,
        out_type=jax.ShapeDtypeStruct((NC, N, D), jnp.float32),
        mesh=_sc_mesh(),
        scratch_types=[
            pltpu.VMEM_SHARED((NP, D), jnp.float32),
            pltpu.VMEM((NCH, CHUNK), jnp.int32),
            pltpu.VMEM((CHUNK,), jnp.int32),
            pltpu.VMEM((CHUNK,), jnp.int32),
            pltpu.VMEM((CHUNK, D), jnp.float32),
            pltpu.VMEM((CHUNK, D), jnp.float32),
            pltpu.SemaphoreType.DMA,
            pltpu.SemaphoreType.DMA,
            pltpu.SemaphoreType.DMA,
            pltpu.SemaphoreType.DMA,
            pltpu.SemaphoreType.DMA,
            pltpu.SemaphoreType.DMA,
        ],
    )


def _degree_body(dst_hbm, zeros_hbm, ones_hbm, out_hbm,
                 deg_sh, idst, ones_v, sem):
    c = lax.axis_index("c")
    s = lax.axis_index("s")
    wid = c * NS + s

    pltpu.sync_copy(dst_hbm.at[wid], idst)
    pltpu.sync_copy(zeros_hbm, deg_sh.at[pl.ds(s * SP, SP)])
    pltpu.sync_copy(ones_hbm, ones_v)
    plsc.subcore_barrier()

    def fire(j):
        pltpu.async_copy(ones_v, deg_sh.at[idst.at[j]], sem, add=True)

    def drain(j):
        pltpu.make_async_copy(ones_v, deg_sh.at[idst.at[j]], sem).wait()

    def body(g, carry):
        for k in range(DGRP):
            fire(g * DGRP + k)

        @pl.when(g > 0)
        def _drain_prev():
            for k in range(DGRP):
                drain((g - 1) * DGRP + k)

        return carry

    lax.fori_loop(0, NCH // DGRP, body, 0)
    for k in range(DGRP):
        drain(NCH - DGRP + k)

    plsc.subcore_barrier()
    pltpu.sync_copy(deg_sh.at[pl.ds(s * SP, SP)],
                    out_hbm.at[pl.ds(c * NP + s * SP, SP)])


@functools.cache
def _degree_kernel():
    return pl.kernel(
        _degree_body,
        out_type=jax.ShapeDtypeStruct((NC * NP,), jnp.float32),
        mesh=_sc_mesh(),
        scratch_types=[
            pltpu.VMEM_SHARED((NP,), jnp.float32),
            pltpu.VMEM((NCH, CHUNK), jnp.int32),
            pltpu.VMEM((CHUNK,), jnp.float32),
            pltpu.SemaphoreType.DMA,
        ],
    )


def _tc_dis_body(hist_ref, dis_ref):
    deg = hist_ref[0] + hist_ref[1] + 1.0
    dis_ref[...] = lax.rsqrt(deg)


def _tc_dis(hist):
    return pl.pallas_call(
        _tc_dis_body,
        out_shape=jax.ShapeDtypeStruct((NP // 128, 128), jnp.float32),
    )(hist)


def _tc_first_body(dis_ref, x_ref, w_ref, y_ref):
    xw = jnp.dot(x_ref[...], w_ref[...], preferred_element_type=jnp.float32)
    y_ref[...] = xw * dis_ref[...]


def _tc_first(dis, x, W1):
    return pl.pallas_call(
        _tc_first_body,
        grid=(N // RB,),
        in_specs=[
            pl.BlockSpec((RB, 1), lambda i: (i, 0)),
            pl.BlockSpec((RB, D), lambda i: (i, 0)),
            pl.BlockSpec((D, D), lambda i: (0, 0)),
        ],
        out_specs=pl.BlockSpec((RB, D), lambda i: (i, 0)),
        out_shape=jax.ShapeDtypeStruct((N, D), jnp.float32),
    )(dis, x, W1)


def _tc_mid_body(dis_ref, acc_ref, y1_ref, b1_ref, w2_ref, y2_ref):
    dis = dis_ref[...]
    h = dis * (acc_ref[0] + acc_ref[1] + y1_ref[...]) + b1_ref[...]
    h = jnp.maximum(h, 0.0)
    hw = jnp.dot(h, w2_ref[...], preferred_element_type=jnp.float32)
    y2_ref[...] = hw * dis


def _tc_mid(dis, acc, y1, b1, W2):
    return pl.pallas_call(
        _tc_mid_body,
        grid=(N // RB,),
        in_specs=[
            pl.BlockSpec((RB, 1), lambda i: (i, 0)),
            pl.BlockSpec((NC, RB, D), lambda i: (0, i, 0)),
            pl.BlockSpec((RB, D), lambda i: (i, 0)),
            pl.BlockSpec((1, D), lambda i: (0, 0)),
            pl.BlockSpec((D, D), lambda i: (0, 0)),
        ],
        out_specs=pl.BlockSpec((RB, D), lambda i: (i, 0)),
        out_shape=jax.ShapeDtypeStruct((N, D), jnp.float32),
    )(dis, acc, y1, b1, W2)


def _tc_final_body(dis_ref, acc_ref, y2_ref, b2_ref, out_ref):
    out_ref[...] = (
        dis_ref[...] * (acc_ref[0] + acc_ref[1] + y2_ref[...]) + b2_ref[...]
    )


def _tc_final(dis, acc, y2, b2):
    return pl.pallas_call(
        _tc_final_body,
        grid=(N // RB,),
        in_specs=[
            pl.BlockSpec((RB, 1), lambda i: (i, 0)),
            pl.BlockSpec((NC, RB, D), lambda i: (0, i, 0)),
            pl.BlockSpec((RB, D), lambda i: (i, 0)),
            pl.BlockSpec((1, D), lambda i: (0, 0)),
        ],
        out_specs=pl.BlockSpec((RB, D), lambda i: (i, 0)),
        out_shape=jax.ShapeDtypeStruct((N, D), jnp.float32),
    )(dis, acc, y2, b2)


def kernel(x, edge_index, W1, b1, W2, b2):
    src = edge_index[0]
    dst = edge_index[1]

    pad = EPAD - E
    pad_ar = jnp.arange(pad, dtype=jnp.int32)
    src3 = jnp.concatenate([src, pad_ar % N]).reshape(NW, NCH, CHUNK)
    dst3 = jnp.concatenate([dst, N + pad_ar % (NP - N)]).reshape(NW, NCH, CHUNK)

    zrows = jnp.zeros((SP, D), jnp.float32)
    zdeg = jnp.zeros((SP,), jnp.float32)
    ones = jnp.ones((CHUNK,), jnp.float32)

    hist = _degree_kernel()(dst3, zdeg, ones)
    dis_pad = _tc_dis(hist.reshape(NC, NP // 128, 128))
    dis = dis_pad.reshape(NP, 1)[:N]

    y1 = _tc_first(dis, x, W1)
    acc1 = _segsum_kernel()(y1, src3, dst3, zrows)
    y2 = _tc_mid(dis, acc1, y1, b1.reshape(1, D), W2)
    acc2 = _segsum_kernel()(y2, src3, dst3, zrows)
    out = _tc_final(dis, acc2, y2, b2.reshape(1, D))
    return out

# --- scband reference (transcript-rebuilt; emitter-appended) ---
"""Pipeline reference for scband-gnn-12189117186811 (READ-ONLY COPY).

The authoritative reference and input builder live on the scoring server;
editing this copy changes nothing except your own understanding.
"""

import jax, jax.numpy as jnp
import numpy as np

N = 10000
E = 320000
D_IN = 128
D_HID = 128
D_OUT = 128


def glorot(key, shape):
    fan_in, fan_out = shape[0], shape[1]
    limit = np.sqrt(6.0 / (fan_in + fan_out))
    return jax.random.uniform(key, shape, minval=-limit, maxval=limit, dtype=jnp.float32)


def setup_inputs(seed: int = 0) -> dict:
    key = jax.random.key(seed)
    k1, k2, k3, k4 = jax.random.split(key, 4)
    x = jax.random.normal(k1, (N, D_IN), dtype=jnp.float32)
    edge_index = jax.random.randint(k2, (2, E), 0, N, dtype=jnp.int32)
    W1 = glorot(k3, (D_IN, D_HID))
    b1 = jnp.zeros((D_HID,), dtype=jnp.float32)
    W2 = glorot(k4, (D_HID, D_OUT))
    b2 = jnp.zeros((D_OUT,), dtype=jnp.float32)
    return {"x": x, "edge_index": edge_index, "W1": W1, "b1": b1, "W2": W2, "b2": b2}


def gcn_conv(x, edge_index, W, b):
    # GCNConv: x' = D^{-1/2} (A + I) D^{-1/2} (x W) + b
    num_nodes = x.shape[0]
    loop = jnp.arange(num_nodes, dtype=edge_index.dtype)
    src = jnp.concatenate([edge_index[0], loop])
    dst = jnp.concatenate([edge_index[1], loop])
    deg = jax.ops.segment_sum(jnp.ones_like(dst, dtype=x.dtype), dst, num_segments=num_nodes)
    deg_inv_sqrt = jnp.where(deg > 0, 1.0 / jnp.sqrt(deg), 0.0)
    norm = deg_inv_sqrt[src] * deg_inv_sqrt[dst]
    xw = x @ W
    msg = jnp.take(xw, src, axis=0) * norm[:, None]
    out = jax.ops.segment_sum(msg, dst, num_segments=num_nodes)
    return out + b


def reference(x, edge_index, W1, b1, W2, b2):
    h = gcn_conv(x, edge_index, W1, b1)
    h = jax.nn.relu(h)
    # F.dropout with training=False (eval mode) is identity
    out = gcn_conv(h, edge_index, W2, b2)
    return out

if __name__ == "__main__":
    import jax
    _d = setup_inputs()
    print(jax.jit(kernel)(*tuple(_d.values())))

</pallas_src>

<mosaic_0001>
#map = affine_map<(d0, d1) -> (0, 0, 0)>
#map1 = affine_map<(d0, d1) -> (0)>
module attributes {stable_mosaic.version = 14 : i64} {
  func.func @_degree_body(%arg0: i32, %arg1: i32, %arg2: memref<32x80x128xi32, #tpu.memory_space<hbm>>, %arg3: memref<640xf32, #tpu.memory_space<hbm>>, %arg4: memref<128xf32, #tpu.memory_space<hbm>>, %arg5: memref<20480xf32, #tpu.memory_space<hbm>>, %arg6: memref<10240xf32, #tpu.memory_space<vmem_shared>>, %arg7: memref<80x128xi32, #tpu.memory_space<vmem>>, %arg8: memref<128xf32, #tpu.memory_space<vmem>>, %arg9: memref<!tpu.dma_semaphore, #tpu.memory_space<semaphore_mem>>) attributes {dimension_semantics = [#tpu.dimension_semantics<core_parallel>, #tpu.dimension_semantics<subcore_parallel>], iteration_bounds = array<i64: 2, 16>, scalar_prefetch = 0 : i64, scratch_operands = 4 : i64, tpu.core_type = #tpu.core_type<sc_vector_subcore>, window_params = [{transform_indices = #map}, {transform_indices = #map1}, {transform_indices = #map1}, {transform_indices = #map1}]} {
    %mul3A = arith.constant 16 : i32
    %mul3A_0 = arith.muli %arg0, %mul3A : i32
    %add3A = arith.addi %mul3A_0, %arg1 : i32
    "tpu.region"() ({
      %run_scoped3A = tpu.sem_alloc : memref<!tpu.dma_semaphore, #tpu.memory_space<semaphore_mem>>
      %dma_start3A = arith.constant 0 : i32
      %dma_start3A_63 = arith.constant 0 : i32
      %dma_start3A_64 = tpu.memref_slice %arg2[%add3A, %dma_start3A, %dma_start3A_63] : memref<32x80x128xi32, #tpu.memory_space<hbm>> -> memref<1x80x128xi32, #tpu.memory_space<hbm>>
      %dma_start3A_65 = tpu.memref_squeeze %dma_start3A_64 : memref<1x80x128xi32, #tpu.memory_space<hbm>> -> memref<80x128xi32, #tpu.memory_space<hbm>>
      %dma_start3A_66 = arith.constant 0 : i32
      %dma_start3A_67 = arith.constant 0 : i32
      %dma_start3A_68 = tpu.memref_slice %arg2[%add3A, %dma_start3A_66, %dma_start3A_67] : memref<32x80x128xi32, #tpu.memory_space<hbm>> -> memref<1x80x128xi32, #tpu.memory_space<hbm>>
      %dma_start3A_69 = tpu.memref_squeeze %dma_start3A_68 : memref<1x80x128xi32, #tpu.memory_space<hbm>> -> memref<80x128xi32, #tpu.memory_space<hbm>>
      tpu.enqueue_dma source(%dma_start3A_69 : memref<80x128xi32, #tpu.memory_space<hbm>>) target(%arg7 : memref<80x128xi32, #tpu.memory_space<vmem>>) target_semaphore(%run_scoped3A : memref<!tpu.dma_semaphore, #tpu.memory_space<semaphore_mem>>)
      %dma_wait3A_70 = arith.constant 0 : i32
      %dma_wait3A_71 = arith.constant 0 : i32
      %dma_wait3A_72 = tpu.memref_slice %arg2[%add3A, %dma_wait3A_70, %dma_wait3A_71] : memref<32x80x128xi32, #tpu.memory_space<hbm>> -> memref<1x80x128xi32, #tpu.memory_space<hbm>>
      %dma_wait3A_73 = tpu.memref_squeeze %dma_wait3A_72 : memref<1x80x128xi32, #tpu.memory_space<hbm>> -> memref<80x128xi32, #tpu.memory_space<hbm>>
      %dma_wait3A_74 = arith.constant 0 : i32
      %dma_wait3A_75 = arith.constant 0 : i32
      %dma_wait3A_76 = tpu.memref_slice %arg2[%add3A, %dma_wait3A_74, %dma_wait3A_75] : memref<32x80x128xi32, #tpu.memory_space<hbm>> -> memref<1x80x128xi32, #tpu.memory_space<hbm>>
      %dma_wait3A_77 = tpu.memref_squeeze %dma_wait3A_76 : memref<1x80x128xi32, #tpu.memory_space<hbm>> -> memref<80x128xi32, #tpu.memory_space<hbm>>
      tpu.wait_dma2 semaphore(%run_scoped3A : memref<!tpu.dma_semaphore, #tpu.memory_space<semaphore_mem>>) src(%dma_wait3A_77 : memref<80x128xi32, #tpu.memory_space<hbm>>) dst(%arg7 : memref<80x128xi32, #tpu.memory_space<vmem>>)
      tpu.yield
    }) : () -> ()
    %mul3A_1 = arith.constant 640 : i32
    %mul3A_2 = arith.muli %arg1, %mul3A_1 : i32
    "tpu.region"() ({
      %run_scoped3A = tpu.sem_alloc : memref<!tpu.dma_semaphore, #tpu.memory_space<semaphore_mem>>
      %dma_start3A = tpu.memref_slice %arg6[%mul3A_2] : memref<10240xf32, #tpu.memory_space<vmem_shared>> -> memref<640xf32, #tpu.memory_space<vmem_shared>>
      tpu.enqueue_dma source(%arg3 : memref<640xf32, #tpu.memory_space<hbm>>) target(%dma_start3A : memref<640xf32, #tpu.memory_space<vmem_shared>>) target_semaphore(%run_scoped3A : memref<!tpu.dma_semaphore, #tpu.memory_space<semaphore_mem>>)
      %dma_wait3A_63 = tpu.memref_slice %arg6[%mul3A_2] : memref<10240xf32, #tpu.memory_space<vmem_shared>> -> memref<640xf32, #tpu.memory_space<vmem_shared>>
      tpu.wait_dma2 semaphore(%run_scoped3A : memref<!tpu.dma_semaphore, #tpu.memory_space<semaphore_mem>>) src(%arg3 : memref<640xf32, #tpu.memory_space<hbm>>) dst(%dma_wait3A_63 : memref<640xf32, #tpu.memory_space<vmem_shared>>)
      tpu.yield
    }) : () -> ()
    "tpu.region"() ({
      %run_scoped3A = tpu.sem_alloc : memref<!tpu.dma_semaphore, #tpu.memory_space<semaphore_mem>>
      tpu.enqueue_dma source(%arg4 : memref<128xf32, #tpu.memory_space<hbm>>) target(%arg8 : memref<128xf32, #tpu.memory_space<vmem>>) target_semaphore(%run_scoped3A : memref<!tpu.dma_semaphore, #tpu.memory_space<semaphore_mem>>)
      tpu.wait_dma2 semaphore(%run_scoped3A : memref<!tpu.dma_semaphore, #tpu.memory_space<semaphore_mem>>) src(%arg4 : memref<128xf32, #tpu.memory_space<hbm>>) dst(%arg8 : memref<128xf32, #tpu.memory_space<vmem>>)
      tpu.yield
    }) : () -> ()
    %barrier3A = arith.constant 0 : index
    tpu.barrier barrier_id(%barrier3A)
    %scan3A = arith.constant 0 : i32
    %scan3A_3 = arith.constant 0 : i32
    %scan3A_4 = arith.constant 10 : i32
    %scan3A_5 = arith.addi %scan3A_3, %scan3A_4 : i32
    %scan3A_6 = arith.constant 1 : i32
    scf.for %scan3A_63 = %scan3A_3 to %scan3A_5 step %scan3A_6  : i32 {
      %mul3A_64 = arith.constant 8 : i32
      %mul3A_65 = arith.muli %scan3A_63, %mul3A_64 : i32
      %add3A_66 = arith.constant 0 : i32
      %add3A_67 = arith.addi %mul3A_65, %add3A_66 : i32
      %dma_start3A = arith.constant 0 : i32
      %dma_start3A_68 = tpu.memref_slice %arg7[%add3A_67, %dma_start3A] : memref<80x128xi32, #tpu.memory_space<vmem>> -> memref<1x128xi32, #tpu.memory_space<vmem>>
      %dma_start3A_69 = tpu.memref_squeeze %dma_start3A_68 : memref<1x128xi32, #tpu.memory_space<vmem>> -> memref<128xi32, #tpu.memory_space<vmem>>
      %dma_start3A_70 = arith.constant 0 : i32
      %dma_start3A_71 = tpu.memref_slice %arg6[%dma_start3A_70] : memref<10240xf32, #tpu.memory_space<vmem_shared>> -> memref<10240xf32, #tpu.memory_space<vmem_shared>>
      tpu.enqueue_indirect_dma source(%arg8 : memref<128xf32, #tpu.memory_space<vmem>>) target(%dma_start3A_71 : memref<10240xf32, #tpu.memory_space<vmem_shared>>) offsets(%dma_start3A_69 : memref<128xi32, #tpu.memory_space<vmem>>) semaphore(%arg9 : memref<!tpu.dma_semaphore, #tpu.memory_space<semaphore_mem>>) {add = true}
      %mul3A_72 = arith.constant 8 : i32
      %mul3A_73 = arith.muli %scan3A_63, %mul3A_72 : i32
      %add3A_74 = arith.constant 1 : i32
      %add3A_75 = arith.addi %mul3A_73, %add3A_74 : i32
      %dma_start3A_76 = arith.constant 0 : i32
      %dma_start3A_77 = tpu.memref_slice %arg7[%add3A_75, %dma_start3A_76] : memref<80x128xi32, #tpu.memory_space<vmem>> -> memref<1x128xi32, #tpu.memory_space<vmem>>
      %dma_start3A_78 = tpu.memref_squeeze %dma_start3A_77 : memref<1x128xi32, #tpu.memory_space<vmem>> -> memref<128xi32, #tpu.memory_space<vmem>>
      %dma_start3A_79 = arith.constant 0 : i32
      %dma_start3A_80 = tpu.memref_slice %arg6[%dma_start3A_79] : memref<10240xf32, #tpu.memory_space<vmem_shared>> -> memref<10240xf32, #tpu.memory_space<vmem_shared>>
      tpu.enqueue_indirect_dma source(%arg8 : memref<128xf32, #tpu.memory_space<vmem>>) target(%dma_start3A_80 : memref<10240xf32, #tpu.memory_space<vmem_shared>>) offsets(%dma_start3A_78 : memref<128xi32, #tpu.memory_space<vmem>>) semaphore(%arg9 : memref<!tpu.dma_semaphore, #tpu.memory_space<semaphore_mem>>) {add = true}
      %mul3A_81 = arith.constant 8 : i32
      %mul3A_82 = arith.muli %scan3A_63, %mul3A_81 : i32
      %add3A_83 = arith.constant 2 : i32
      %add3A_84 = arith.addi %mul3A_82, %add3A_83 : i32
      %dma_start3A_85 = arith.constant 0 : i32
      %dma_start3A_86 = tpu.memref_slice %arg7[%add3A_84, %dma_start3A_85] : memref<80x128xi32, #tpu.memory_space<vmem>> -> memref<1x128xi32, #tpu.memory_space<vmem>>
      %dma_start3A_87 = tpu.memref_squeeze %dma_start3A_86 : memref<1x128xi32, #tpu.memory_space<vmem>> -> memref<128xi32, #tpu.memory_space<vmem>>
      %dma_start3A_88 = arith.constant 0 : i32
      %dma_start3A_89 = tpu.memref_slice %arg6[%dma_start3A_88] : memref<10240xf32, #tpu.memory_space<vmem_shared>> -> memref<10240xf32, #tpu.memory_space<vmem_shared>>
      tpu.enqueue_indirect_dma source(%arg8 : memref<128xf32, #tpu.memory_space<vmem>>) target(%dma_start3A_89 : memref<10240xf32, #tpu.memory_space<vmem_shared>>) offsets(%dma_start3A_87 : memref<128xi32, #tpu.memory_space<vmem>>) semaphore(%arg9 : memref<!tpu.dma_semaphore, #tpu.memory_space<semaphore_mem>>) {add = true}
      %mul3A_90 = arith.constant 8 : i32
      %mul3A_91 = arith.muli %scan3A_63, %mul3A_90 : i32
      %add3A_92 = arith.constant 3 : i32
      %add3A_93 = arith.addi %mul3A_91, %add3A_92 : i32
      %dma_start3A_94 = arith.constant 0 : i32
      %dma_start3A_95 = tpu.memref_slice %arg7[%add3A_93, %dma_start3A_94] : memref<80x128xi32, #tpu.memory_space<vmem>> -> memref<1x128xi32, #tpu.memory_space<vmem>>
      %dma_start3A_96 = tpu.memref_squeeze %dma_start3A_95 : memref<1x128xi32, #tpu.memory_space<vmem>> -> memref<128xi32, #tpu.memory_space<vmem>>
      %dma_start3A_97 = arith.constant 0 : i32
      %dma_start3A_98 = tpu.memref_slice %arg6[%dma_start3A_97] : memref<10240xf32, #tpu.memory_space<vmem_shared>> -> memref<10240xf32, #tpu.memory_space<vmem_shared>>
      tpu.enqueue_indirect_dma source(%arg8 : memref<128xf32, #tpu.memory_space<vmem>>) target(%dma_start3A_98 : memref<10240xf32, #tpu.memory_space<vmem_shared>>) offsets(%dma_start3A_96 : memref<128xi32, #tpu.memory_space<vmem>>) semaphore(%arg9 : memref<!tpu.dma_semaphore, #tpu.memory_space<semaphore_mem>>) {add = true}
      %mul3A_99 = arith.constant 8 : i32
      %mul3A_100 = arith.muli %scan3A_63, %mul3A_99 : i32
      %add3A_101 = arith.constant 4 : i32
      %add3A_102 = arith.addi %mul3A_100, %add3A_101 : i32
      %dma_start3A_103 = arith.constant 0 : i32
      %dma_start3A_104 = tpu.memref_slice %arg7[%add3A_102, %dma_start3A_103] : memref<80x128xi32, #tpu.memory_space<vmem>> -> memref<1x128xi32, #tpu.memory_space<vmem>>
      %dma_start3A_105 = tpu.memref_squeeze %dma_start3A_104 : memref<1x128xi32, #tpu.memory_space<vmem>> -> memref<128xi32, #tpu.memory_space<vmem>>
      %dma_start3A_106 = arith.constant 0 : i32
      %dma_start3A_107 = tpu.memref_slice %arg6[%dma_start3A_106] : memref<10240xf32, #tpu.memory_space<vmem_shared>> -> memref<10240xf32, #tpu.memory_space<vmem_shared>>
      tpu.enqueue_indirect_dma source(%arg8 : memref<128xf32, #tpu.memory_space<vmem>>) target(%dma_start3A_107 : memref<10240xf32, #tpu.memory_space<vmem_shared>>) offsets(%dma_start3A_105 : memref<128xi32, #tpu.memory_space<vmem>>) semaphore(%arg9 : memref<!tpu.dma_semaphore, #tpu.memory_space<semaphore_mem>>) {add = true}
      %mul3A_108 = arith.constant 8 : i32
      %mul3A_109 = arith.muli %scan3A_63, %mul3A_108 : i32
      %add3A_110 = arith.constant 5 : i32
      %add3A_111 = arith.addi %mul3A_109, %add3A_110 : i32
      %dma_start3A_112 = arith.constant 0 : i32
      %dma_start3A_113 = tpu.memref_slice %arg7[%add3A_111, %dma_start3A_112] : memref<80x128xi32, #tpu.memory_space<vmem>> -> memref<1x128xi32, #tpu.memory_space<vmem>>
      %dma_start3A_114 = tpu.memref_squeeze %dma_start3A_113 : memref<1x128xi32, #tpu.memory_space<vmem>> -> memref<128xi32, #tpu.memory_space<vmem>>
      %dma_start3A_115 = arith.constant 0 : i32
      %dma_start3A_116 = tpu.memref_slice %arg6[%dma_start3A_115] : memref<10240xf32, #tpu.memory_space<vmem_shared>> -> memref<10240xf32, #tpu.memory_space<vmem_shared>>
      tpu.enqueue_indirect_dma source(%arg8 : memref<128xf32, #tpu.memory_space<vmem>>) target(%dma_start3A_116 : memref<10240xf32, #tpu.memory_space<vmem_shared>>) offsets(%dma_start3A_114 : memref<128xi32, #tpu.memory_space<vmem>>) semaphore(%arg9 : memref<!tpu.dma_semaphore, #tpu.memory_space<semaphore_mem>>) {add = true}
      %mul3A_117 = arith.constant 8 : i32
      %mul3A_118 = arith.muli %scan3A_63, %mul3A_117 : i32
      %add3A_119 = arith.constant 6 : i32
      %add3A_120 = arith.addi %mul3A_118, %add3A_119 : i32
      %dma_start3A_121 = arith.constant 0 : i32
      %dma_start3A_122 = tpu.memref_slice %arg7[%add3A_120, %dma_start3A_121] : memref<80x128xi32, #tpu.memory_space<vmem>> -> memref<1x128xi32, #tpu.memory_space<vmem>>
      %dma_start3A_123 = tpu.memref_squeeze %dma_start3A_122 : memref<1x128xi32, #tpu.memory_space<vmem>> -> memref<128xi32, #tpu.memory_space<vmem>>
      %dma_start3A_124 = arith.constant 0 : i32
      %dma_start3A_125 = tpu.memref_slice %arg6[%dma_start3A_124] : memref<10240xf32, #tpu.memory_space<vmem_shared>> -> memref<10240xf32, #tpu.memory_space<vmem_shared>>
      tpu.enqueue_indirect_dma source(%arg8 : memref<128xf32, #tpu.memory_space<vmem>>) target(%dma_start3A_125 : memref<10240xf32, #tpu.memory_space<vmem_shared>>) offsets(%dma_start3A_123 : memref<128xi32, #tpu.memory_space<vmem>>) semaphore(%arg9 : memref<!tpu.dma_semaphore, #tpu.memory_space<semaphore_mem>>) {add = true}
      %mul3A_126 = arith.constant 8 : i32
      %mul3A_127 = arith.muli %scan3A_63, %mul3A_126 : i32
      %add3A_128 = arith.constant 7 : i32
      %add3A_129 = arith.addi %mul3A_127, %add3A_128 : i32
      %dma_start3A_130 = arith.constant 0 : i32
      %dma_start3A_131 = tpu.memref_slice %arg7[%add3A_129, %dma_start3A_130] : memref<80x128xi32, #tpu.memory_space<vmem>> -> memref<1x128xi32, #tpu.memory_space<vmem>>
      %dma_start3A_132 = tpu.memref_squeeze %dma_start3A_131 : memref<1x128xi32, #tpu.memory_space<vmem>> -> memref<128xi32, #tpu.memory_space<vmem>>
      %dma_start3A_133 = arith.constant 0 : i32
      %dma_start3A_134 = tpu.memref_slice %arg6[%dma_start3A_133] : memref<10240xf32, #tpu.memory_space<vmem_shared>> -> memref<10240xf32, #tpu.memory_space<vmem_shared>>
      tpu.enqueue_indirect_dma source(%arg8 : memref<128xf32, #tpu.memory_space<vmem>>) target(%dma_start3A_134 : memref<10240xf32, #tpu.memory_space<vmem_shared>>) offsets(%dma_start3A_132 : memref<128xi32, #tpu.memory_space<vmem>>) semaphore(%arg9 : memref<!tpu.dma_semaphore, #tpu.memory_space<semaphore_mem>>) {add = true}
      %gt3A = arith.constant 0 : i32
      %gt3A_135 = arith.cmpi sgt, %scan3A_63, %gt3A : i32
      %convert_element_type3A = arith.extui %gt3A_135 : i1 to i32
      %cond3A = arith.constant 0 : i32
      %cond3A_136 = arith.cmpi ne, %convert_element_type3A, %cond3A : i32
      scf.if %cond3A_136 {
        %sub3A = arith.constant 1 : i32
        %sub3A_137 = arith.subi %scan3A_63, %sub3A : i32
        %mul3A_138 = arith.constant 8 : i32
        %mul3A_139 = arith.muli %sub3A_137, %mul3A_138 : i32
        %add3A_140 = arith.constant 0 : i32
        %add3A_141 = arith.addi %mul3A_139, %add3A_140 : i32
        %dma_wait3A_142 = arith.constant 0 : i32
        %dma_wait3A_143 = tpu.memref_slice %arg7[%add3A_141, %dma_wait3A_142] : memref<80x128xi32, #tpu.memory_space<vmem>> -> memref<1x128xi32, #tpu.memory_space<vmem>>
        %dma_wait3A_144 = tpu.memref_squeeze %dma_wait3A_143 : memref<1x128xi32, #tpu.memory_space<vmem>> -> memref<128xi32, #tpu.memory_space<vmem>>
        %dma_wait3A_145 = arith.constant 0 : i32
        %dma_wait3A_146 = tpu.memref_slice %arg6[%dma_wait3A_145] : memref<10240xf32, #tpu.memory_space<vmem_shared>> -> memref<10240xf32, #tpu.memory_space<vmem_shared>>
        tpu.wait_indirect_dma semaphore(%arg9 : memref<!tpu.dma_semaphore, #tpu.memory_space<semaphore_mem>>) src(%arg8 : memref<128xf32, #tpu.memory_space<vmem>>) dst(%dma_wait3A_146 : memref<10240xf32, #tpu.memory_space<vmem_shared>>)
        %sub3A_147 = arith.constant 1 : i32
        %sub3A_148 = arith.subi %scan3A_63, %sub3A_147 : i32
        %mul3A_149 = arith.constant 8 : i32
        %mul3A_150 = arith.muli %sub3A_148, %mul3A_149 : i32
        %add3A_151 = arith.constant 1 : i32
        %add3A_152 = arith.addi %mul3A_150, %add3A_151 : i32
        %dma_wait3A_153 = arith.constant 0 : i32
        %dma_wait3A_154 = tpu.memref_slice %arg7[%add3A_152, %dma_wait3A_153] : memref<80x128xi32, #tpu.memory_space<vmem>> -> memref<1x128xi32, #tpu.memory_space<vmem>>
        %dma_wait3A_155 = tpu.memref_squeeze %dma_wait3A_154 : memref<1x128xi32, #tpu.memory_space<vmem>> -> memref<128xi32, #tpu.memory_space<vmem>>
        %dma_wait3A_156 = arith.constant 0 : i32
        %dma_wait3A_157 = tpu.memref_slice %arg6[%dma_wait3A_156] : memref<10240xf32, #tpu.memory_space<vmem_shared>> -> memref<10240xf32, #tpu.memory_space<vmem_shared>>
        tpu.wait_indirect_dma semaphore(%arg9 : memref<!tpu.dma_semaphore, #tpu.memory_space<semaphore_mem>>) src(%arg8 : memref<128xf32, #tpu.memory_space<vmem>>) dst(%dma_wait3A_157 : memref<10240xf32, #tpu.memory_space<vmem_shared>>)
        %sub3A_158 = arith.constant 1 : i32
        %sub3A_159 = arith.subi %scan3A_63, %sub3A_158 : i32
        %mul3A_160 = arith.constant 8 : i32
        %mul3A_161 = arith.muli %sub3A_159, %mul3A_160 : i32
        %add3A_162 = arith.constant 2 : i32
        %add3A_163 = arith.addi %mul3A_161, %add3A_162 : i32
        %dma_wait3A_164 = arith.constant 0 : i32
        %dma_wait3A_165 = tpu.memref_slice %arg7[%add3A_163, %dma_wait3A_164] : memref<80x128xi32, #tpu.memory_space<vmem>> -> memref<1x128xi32, #tpu.memory_space<vmem>>
        %dma_wait3A_166 = tpu.memref_squeeze %dma_wait3A_165 : memref<1x128xi32, #tpu.memory_space<vmem>> -> memref<128xi32, #tpu.memory_space<vmem>>
        %dma_wait3A_167 = arith.constant 0 : i32
        %dma_wait3A_168 = tpu.memref_slice %arg6[%dma_wait3A_167] : memref<10240xf32, #tpu.memory_space<vmem_shared>> -> memref<10240xf32, #tpu.memory_space<vmem_shared>>
        tpu.wait_indirect_dma semaphore(%arg9 : memref<!tpu.dma_semaphore, #tpu.memory_space<semaphore_mem>>) src(%arg8 : memref<128xf32, #tpu.memory_space<vmem>>) dst(%dma_wait3A_168 : memref<10240xf32, #tpu.memory_space<vmem_shared>>)
        %sub3A_169 = arith.constant 1 : i32
        %sub3A_170 = arith.subi %scan3A_63, %sub3A_169 : i32
        %mul3A_171 = arith.constant 8 : i32
        %mul3A_172 = arith.muli %sub3A_170, %mul3A_171 : i32
        %add3A_173 = arith.constant 3 : i32
        %add3A_174 = arith.addi %mul3A_172, %add3A_173 : i32
        %dma_wait3A_175 = arith.constant 0 : i32
        %dma_wait3A_176 = tpu.memref_slice %arg7[%add3A_174, %dma_wait3A_175] : memref<80x128xi32, #tpu.memory_space<vmem>> -> memref<1x128xi32, #tpu.memory_space<vmem>>
        %dma_wait3A_177 = tpu.memref_squeeze %dma_wait3A_176 : memref<1x128xi32, #tpu.memory_space<vmem>> -> memref<128xi32, #tpu.memory_space<vmem>>
        %dma_wait3A_178 = arith.constant 0 : i32
        %dma_wait3A_179 = tpu.memref_slice %arg6[%dma_wait3A_178] : memref<10240xf32, #tpu.memory_space<vmem_shared>> -> memref<10240xf32, #tpu.memory_space<vmem_shared>>
        tpu.wait_indirect_dma semaphore(%arg9 : memref<!tpu.dma_semaphore, #tpu.memory_space<semaphore_mem>>) src(%arg8 : memref<128xf32, #tpu.memory_space<vmem>>) dst(%dma_wait3A_179 : memref<10240xf32, #tpu.memory_space<vmem_shared>>)
        %sub3A_180 = arith.constant 1 : i32
        %sub3A_181 = arith.subi %scan3A_63, %sub3A_180 : i32
        %mul3A_182 = arith.constant 8 : i32
        %mul3A_183 = arith.muli %sub3A_181, %mul3A_182 : i32
        %add3A_184 = arith.constant 4 : i32
        %add3A_185 = arith.addi %mul3A_183, %add3A_184 : i32
        %dma_wait3A_186 = arith.constant 0 : i32
        %dma_wait3A_187 = tpu.memref_slice %arg7[%add3A_185, %dma_wait3A_186] : memref<80x128xi32, #tpu.memory_space<vmem>> -> memref<1x128xi32, #tpu.memory_space<vmem>>
        %dma_wait3A_188 = tpu.memref_squeeze %dma_wait3A_187 : memref<1x128xi32, #tpu.memory_space<vmem>> -> memref<128xi32, #tpu.memory_space<vmem>>
        %dma_wait3A_189 = arith.constant 0 : i32
        %dma_wait3A_190 = tpu.memref_slice %arg6[%dma_wait3A_189] : memref<10240xf32, #tpu.memory_space<vmem_shared>> -> memref<10240xf32, #tpu.memory_space<vmem_shared>>
        tpu.wait_indirect_dma semaphore(%arg9 : memref<!tpu.dma_semaphore, #tpu.memory_space<semaphore_mem>>) src(%arg8 : memref<128xf32, #tpu.memory_space<vmem>>) dst(%dma_wait3A_190 : memref<10240xf32, #tpu.memory_space<vmem_shared>>)
        %sub3A_191 = arith.constant 1 : i32
        %sub3A_192 = arith.subi %scan3A_63, %sub3A_191 : i32
        %mul3A_193 = arith.constant 8 : i32
        %mul3A_194 = arith.muli %sub3A_192, %mul3A_193 : i32
        %add3A_195 = arith.constant 5 : i32
        %add3A_196 = arith.addi %mul3A_194, %add3A_195 : i32
        %dma_wait3A_197 = arith.constant 0 : i32
        %dma_wait3A_198 = tpu.memref_slice %arg7[%add3A_196, %dma_wait3A_197] : memref<80x128xi32, #tpu.memory_space<vmem>> -> memref<1x128xi32, #tpu.memory_space<vmem>>
        %dma_wait3A_199 = tpu.memref_squeeze %dma_wait3A_198 : memref<1x128xi32, #tpu.memory_space<vmem>> -> memref<128xi32, #tpu.memory_space<vmem>>
        %dma_wait3A_200 = arith.constant 0 : i32
        %dma_wait3A_201 = tpu.memref_slice %arg6[%dma_wait3A_200] : memref<10240xf32, #tpu.memory_space<vmem_shared>> -> memref<10240xf32, #tpu.memory_space<vmem_shared>>
        tpu.wait_indirect_dma semaphore(%arg9 : memref<!tpu.dma_semaphore, #tpu.memory_space<semaphore_mem>>) src(%arg8 : memref<128xf32, #tpu.memory_space<vmem>>) dst(%dma_wait3A_201 : memref<10240xf32, #tpu.memory_space<vmem_shared>>)
        %sub3A_202 = arith.constant 1 : i32
        %sub3A_203 = arith.subi %scan3A_63, %sub3A_202 : i32
        %mul3A_204 = arith.constant 8 : i32
        %mul3A_205 = arith.muli %sub3A_203, %mul3A_204 : i32
        %add3A_206 = arith.constant 6 : i32
        %add3A_207 = arith.addi %mul3A_205, %add3A_206 : i32
        %dma_wait3A_208 = arith.constant 0 : i32
        %dma_wait3A_209 = tpu.memref_slice %arg7[%add3A_207, %dma_wait3A_208] : memref<80x128xi32, #tpu.memory_space<vmem>> -> memref<1x128xi32, #tpu.memory_space<vmem>>
        %dma_wait3A_210 = tpu.memref_squeeze %dma_wait3A_209 : memref<1x128xi32, #tpu.memory_space<vmem>> -> memref<128xi32, #tpu.memory_space<vmem>>
        %dma_wait3A_211 = arith.constant 0 : i32
        %dma_wait3A_212 = tpu.memref_slice %arg6[%dma_wait3A_211] : memref<10240xf32, #tpu.memory_space<vmem_shared>> -> memref<10240xf32, #tpu.memory_space<vmem_shared>>
        tpu.wait_indirect_dma semaphore(%arg9 : memref<!tpu.dma_semaphore, #tpu.memory_space<semaphore_mem>>) src(%arg8 : memref<128xf32, #tpu.memory_space<vmem>>) dst(%dma_wait3A_212 : memref<10240xf32, #tpu.memory_space<vmem_shared>>)
        %sub3A_213 = arith.constant 1 : i32
        %sub3A_214 = arith.subi %scan3A_63, %sub3A_213 : i32
        %mul3A_215 = arith.constant 8 : i32
        %mul3A_216 = arith.muli %sub3A_214, %mul3A_215 : i32
        %add3A_217 = arith.constant 7 : i32
        %add3A_218 = arith.addi %mul3A_216, %add3A_217 : i32
        %dma_wait3A_219 = arith.constant 0 : i32
        %dma_wait3A_220 = tpu.memref_slice %arg7[%add3A_218, %dma_wait3A_219] : memref<80x128xi32, #tpu.memory_space<vmem>> -> memref<1x128xi32, #tpu.memory_space<vmem>>
        %dma_wait3A_221 = tpu.memref_squeeze %dma_wait3A_220 : memref<1x128xi32, #tpu.memory_space<vmem>> -> memref<128xi32, #tpu.memory_space<vmem>>
        %dma_wait3A_222 = arith.constant 0 : i32
        %dma_wait3A_223 = tpu.memref_slice %arg6[%dma_wait3A_222] : memref<10240xf32, #tpu.memory_space<vmem_shared>> -> memref<10240xf32, #tpu.memory_space<vmem_shared>>
        tpu.wait_indirect_dma semaphore(%arg9 : memref<!tpu.dma_semaphore, #tpu.memory_space<semaphore_mem>>) src(%arg8 : memref<128xf32, #tpu.memory_space<vmem>>) dst(%dma_wait3A_223 : memref<10240xf32, #tpu.memory_space<vmem_shared>>)
      } else {
      }
    }
    %scan3A_7 = arith.constant 10 : i32
    %dma_wait3A = arith.constant 72 : i32
    %dma_wait3A_8 = arith.constant 0 : i32
    %dma_wait3A_9 = tpu.memref_slice %arg7[%dma_wait3A, %dma_wait3A_8] : memref<80x128xi32, #tpu.memory_space<vmem>> -> memref<1x128xi32, #tpu.memory_space<vmem>>
    %dma_wait3A_10 = tpu.memref_squeeze %dma_wait3A_9 : memref<1x128xi32, #tpu.memory_space<vmem>> -> memref<128xi32, #tpu.memory_space<vmem>>
    %dma_wait3A_11 = arith.constant 0 : i32
    %dma_wait3A_12 = tpu.memref_slice %arg6[%dma_wait3A_11] : memref<10240xf32, #tpu.memory_space<vmem_shared>> -> memref<10240xf32, #tpu.memory_space<vmem_shared>>
    tpu.wait_indirect_dma semaphore(%arg9 : memref<!tpu.dma_semaphore, #tpu.memory_space<semaphore_mem>>) src(%arg8 : memref<128xf32, #tpu.memory_space<vmem>>) dst(%dma_wait3A_12 : memref<10240xf32, #tpu.memory_space<vmem_shared>>)
    %dma_wait3A_13 = arith.constant 73 : i32
    %dma_wait3A_14 = arith.constant 0 : i32
    %dma_wait3A_15 = tpu.memref_slice %arg7[%dma_wait3A_13, %dma_wait3A_14] : memref<80x128xi32, #tpu.memory_space<vmem>> -> memref<1x128xi32, #tpu.memory_space<vmem>>
    %dma_wait3A_16 = tpu.memref_squeeze %dma_wait3A_15 : memref<1x128xi32, #tpu.memory_space<vmem>> -> memref<128xi32, #tpu.memory_space<vmem>>
    %dma_wait3A_17 = arith.constant 0 : i32
    %dma_wait3A_18 = tpu.memref_slice %arg6[%dma_wait3A_17] : memref<10240xf32, #tpu.memory_space<vmem_shared>> -> memref<10240xf32, #tpu.memory_space<vmem_shared>>
    tpu.wait_indirect_dma semaphore(%arg9 : memref<!tpu.dma_semaphore, #tpu.memory_space<semaphore_mem>>) src(%arg8 : memref<128xf32, #tpu.memory_space<vmem>>) dst(%dma_wait3A_18 : memref<10240xf32, #tpu.memory_space<vmem_shared>>)
    %dma_wait3A_19 = arith.constant 74 : i32
    %dma_wait3A_20 = arith.constant 0 : i32
    %dma_wait3A_21 = tpu.memref_slice %arg7[%dma_wait3A_19, %dma_wait3A_20] : memref<80x128xi32, #tpu.memory_space<vmem>> -> memref<1x128xi32, #tpu.memory_space<vmem>>
    %dma_wait3A_22 = tpu.memref_squeeze %dma_wait3A_21 : memref<1x128xi32, #tpu.memory_space<vmem>> -> memref<128xi32, #tpu.memory_space<vmem>>
    %dma_wait3A_23 = arith.constant 0 : i32
    %dma_wait3A_24 = tpu.memref_slice %arg6[%dma_wait3A_23] : memref<10240xf32, #tpu.memory_space<vmem_shared>> -> memref<10240xf32, #tpu.memory_space<vmem_shared>>
    tpu.wait_indirect_dma semaphore(%arg9 : memref<!tpu.dma_semaphore, #tpu.memory_space<semaphore_mem>>) src(%arg8 : memref<128xf32, #tpu.memory_space<vmem>>) dst(%dma_wait3A_24 : memref<10240xf32, #tpu.memory_space<vmem_shared>>)
    %dma_wait3A_25 = arith.constant 75 : i32
    %dma_wait3A_26 = arith.constant 0 : i32
    %dma_wait3A_27 = tpu.memref_slice %arg7[%dma_wait3A_25, %dma_wait3A_26] : memref<80x128xi32, #tpu.memory_space<vmem>> -> memref<1x128xi32, #tpu.memory_space<vmem>>
    %dma_wait3A_28 = tpu.memref_squeeze %dma_wait3A_27 : memref<1x128xi32, #tpu.memory_space<vmem>> -> memref<128xi32, #tpu.memory_space<vmem>>
    %dma_wait3A_29 = arith.constant 0 : i32
    %dma_wait3A_30 = tpu.memref_slice %arg6[%dma_wait3A_29] : memref<10240xf32, #tpu.memory_space<vmem_shared>> -> memref<10240xf32, #tpu.memory_space<vmem_shared>>
    tpu.wait_indirect_dma semaphore(%arg9 : memref<!tpu.dma_semaphore, #tpu.memory_space<semaphore_mem>>) src(%arg8 : memref<128xf32, #tpu.memory_space<vmem>>) dst(%dma_wait3A_30 : memref<10240xf32, #tpu.memory_space<vmem_shared>>)
    %dma_wait3A_31 = arith.constant 76 : i32
    %dma_wait3A_32 = arith.constant 0 : i32
    %dma_wait3A_33 = tpu.memref_slice %arg7[%dma_wait3A_31, %dma_wait3A_32] : memref<80x128xi32, #tpu.memory_space<vmem>> -> memref<1x128xi32, #tpu.memory_space<vmem>>
    %dma_wait3A_34 = tpu.memref_squeeze %dma_wait3A_33 : memref<1x128xi32, #tpu.memory_space<vmem>> -> memref<128xi32, #tpu.memory_space<vmem>>
    %dma_wait3A_35 = arith.constant 0 : i32
    %dma_wait3A_36 = tpu.memref_slice %arg6[%dma_wait3A_35] : memref<10240xf32, #tpu.memory_space<vmem_shared>> -> memref<10240xf32, #tpu.memory_space<vmem_shared>>
    tpu.wait_indirect_dma semaphore(%arg9 : memref<!tpu.dma_semaphore, #tpu.memory_space<semaphore_mem>>) src(%arg8 : memref<128xf32, #tpu.memory_space<vmem>>) dst(%dma_wait3A_36 : memref<10240xf32, #tpu.memory_space<vmem_shared>>)
    %dma_wait3A_37 = arith.constant 77 : i32
    %dma_wait3A_38 = arith.constant 0 : i32
    %dma_wait3A_39 = tpu.memref_slice %arg7[%dma_wait3A_37, %dma_wait3A_38] : memref<80x128xi32, #tpu.memory_space<vmem>> -> memref<1x128xi32, #tpu.memory_space<vmem>>
    %dma_wait3A_40 = tpu.memref_squeeze %dma_wait3A_39 : memref<1x128xi32, #tpu.memory_space<vmem>> -> memref<128xi32, #tpu.memory_space<vmem>>
    %dma_wait3A_41 = arith.constant 0 : i32
    %dma_wait3A_42 = tpu.memref_slice %arg6[%dma_wait3A_41] : memref<10240xf32, #tpu.memory_space<vmem_shared>> -> memref<10240xf32, #tpu.memory_space<vmem_shared>>
    tpu.wait_indirect_dma semaphore(%arg9 : memref<!tpu.dma_semaphore, #tpu.memory_space<semaphore_mem>>) src(%arg8 : memref<128xf32, #tpu.memory_space<vmem>>) dst(%dma_wait3A_42 : memref<10240xf32, #tpu.memory_space<vmem_shared>>)
    %dma_wait3A_43 = arith.constant 78 : i32
    %dma_wait3A_44 = arith.constant 0 : i32
    %dma_wait3A_45 = tpu.memref_slice %arg7[%dma_wait3A_43, %dma_wait3A_44] : memref<80x128xi32, #tpu.memory_space<vmem>> -> memref<1x128xi32, #tpu.memory_space<vmem>>
    %dma_wait3A_46 = tpu.memref_squeeze %dma_wait3A_45 : memref<1x128xi32, #tpu.memory_space<vmem>> -> memref<128xi32, #tpu.memory_space<vmem>>
    %dma_wait3A_47 = arith.constant 0 : i32
    %dma_wait3A_48 = tpu.memref_slice %arg6[%dma_wait3A_47] : memref<10240xf32, #tpu.memory_space<vmem_shared>> -> memref<10240xf32, #tpu.memory_space<vmem_shared>>
    tpu.wait_indirect_dma semaphore(%arg9 : memref<!tpu.dma_semaphore, #tpu.memory_space<semaphore_mem>>) src(%arg8 : memref<128xf32, #tpu.memory_space<vmem>>) dst(%dma_wait3A_48 : memref<10240xf32, #tpu.memory_space<vmem_shared>>)
    %dma_wait3A_49 = arith.constant 79 : i32
    %dma_wait3A_50 = arith.constant 0 : i32
    %dma_wait3A_51 = tpu.memref_slice %arg7[%dma_wait3A_49, %dma_wait3A_50] : memref<80x128xi32, #tpu.memory_space<vmem>> -> memref<1x128xi32, #tpu.memory_space<vmem>>
    %dma_wait3A_52 = tpu.memref_squeeze %dma_wait3A_51 : memref<1x128xi32, #tpu.memory_space<vmem>> -> memref<128xi32, #tpu.memory_space<vmem>>
    %dma_wait3A_53 = arith.constant 0 : i32
    %dma_wait3A_54 = tpu.memref_slice %arg6[%dma_wait3A_53] : memref<10240xf32, #tpu.memory_space<vmem_shared>> -> memref<10240xf32, #tpu.memory_space<vmem_shared>>
    tpu.wait_indirect_dma semaphore(%arg9 : memref<!tpu.dma_semaphore, #tpu.memory_space<semaphore_mem>>) src(%arg8 : memref<128xf32, #tpu.memory_space<vmem>>) dst(%dma_wait3A_54 : memref<10240xf32, #tpu.memory_space<vmem_shared>>)
    %barrier3A_55 = arith.constant 0 : index
    tpu.barrier barrier_id(%barrier3A_55)
    %mul3A_56 = arith.constant 640 : i32
    %mul3A_57 = arith.muli %arg1, %mul3A_56 : i32
    %mul3A_58 = arith.constant 10240 : i32
    %mul3A_59 = arith.muli %arg0, %mul3A_58 : i32
    %mul3A_60 = arith.constant 640 : i32
    %mul3A_61 = arith.muli %arg1, %mul3A_60 : i32
    %add3A_62 = arith.addi %mul3A_59, %mul3A_61 : i32
    "tpu.region"() ({
      %run_scoped3A = tpu.sem_alloc : memref<!tpu.dma_semaphore, #tpu.memory_space<semaphore_mem>>
      %dma_start3A = tpu.memref_slice %arg5[%add3A_62] : memref<20480xf32, #tpu.memory_space<hbm>> -> memref<640xf32, #tpu.memory_space<hbm>>
      %dma_start3A_63 = tpu.memref_slice %arg6[%mul3A_57] : memref<10240xf32, #tpu.memory_space<vmem_shared>> -> memref<640xf32, #tpu.memory_space<vmem_shared>>
      tpu.enqueue_dma source(%dma_start3A_63 : memref<640xf32, #tpu.memory_space<vmem_shared>>) target(%dma_start3A : memref<640xf32, #tpu.memory_space<hbm>>) target_semaphore(%run_scoped3A : memref<!tpu.dma_semaphore, #tpu.memory_space<semaphore_mem>>)
      %dma_wait3A_64 = tpu.memref_slice %arg5[%add3A_62] : memref<20480xf32, #tpu.memory_space<hbm>> -> memref<640xf32, #tpu.memory_space<hbm>>
      %dma_wait3A_65 = tpu.memref_slice %arg6[%mul3A_57] : memref<10240xf32, #tpu.memory_space<vmem_shared>> -> memref<640xf32, #tpu.memory_space<vmem_shared>>
      tpu.wait_dma2 semaphore(%run_scoped3A : memref<!tpu.dma_semaphore, #tpu.memory_space<semaphore_mem>>) src(%dma_wait3A_65 : memref<640xf32, #tpu.memory_space<vmem_shared>>) dst(%dma_wait3A_64 : memref<640xf32, #tpu.memory_space<hbm>>)
      tpu.yield
    }) : () -> ()
    return
  }
}

#map = affine_map<(d0, d1) -> (0, 0)>
#map1 = affine_map<(d0, d1) -> (0, 0, 0)>
module attributes {stable_mosaic.version = 14 : i64} {
  func.func @_segsum_body(%arg0: i32, %arg1: i32, %arg2: memref<10000x128xf32, #tpu.memory_space<hbm>>, %arg3: memref<32x80x128xi32, #tpu.memory_space<hbm>>, %arg4: memref<32x80x128xi32, #tpu.memory_space<hbm>>, %arg5: memref<640x128xf32, #tpu.memory_space<hbm>>, %arg6: memref<2x10000x128xf32, #tpu.memory_space<hbm>>, %arg7: memref<10240x128xf32, #tpu.memory_space<vmem_shared>>, %arg8: memref<80x128xi32, #tpu.memory_space<vmem>>, %arg9: memref<128xi32, #tpu.memory_space<vmem>>, %arg10: memref<128xi32, #tpu.memory_space<vmem>>, %arg11: memref<128x128xf32, #tpu.memory_space<vmem>>, %arg12: memref<128x128xf32, #tpu.memory_space<vmem>>, %arg13: memref<!tpu.dma_semaphore, #tpu.memory_space<semaphore_mem>>, %arg14: memref<!tpu.dma_semaphore, #tpu.memory_space<semaphore_mem>>, %arg15: memref<!tpu.dma_semaphore, #tpu.memory_space<semaphore_mem>>, %arg16: memref<!tpu.dma_semaphore, #tpu.memory_space<semaphore_mem>>, %arg17: memref<!tpu.dma_semaphore, #tpu.memory_space<semaphore_mem>>, %arg18: memref<!tpu.dma_semaphore, #tpu.memory_space<semaphore_mem>>) attributes {dimension_semantics = [#tpu.dimension_semantics<core_parallel>, #tpu.dimension_semantics<subcore_parallel>], iteration_bounds = array<i64: 2, 16>, scalar_prefetch = 0 : i64, scratch_operands = 12 : i64, tpu.core_type = #tpu.core_type<sc_vector_subcore>, window_params = [{transform_indices = #map}, {transform_indices = #map1}, {transform_indices = #map1}, {transform_indices = #map}, {transform_indices = #map1}]} {
    %mul3A = arith.constant 16 : i32
    %mul3A_0 = arith.muli %arg0, %mul3A : i32
    %add3A = arith.addi %mul3A_0, %arg1 : i32
    "tpu.region"() ({
      %run_scoped3A = tpu.sem_alloc : memref<!tpu.dma_semaphore, #tpu.memory_space<semaphore_mem>>
      %dma_start3A_44 = arith.constant 0 : i32
      %dma_start3A_45 = arith.constant 0 : i32
      %dma_start3A_46 = tpu.memref_slice %arg4[%add3A, %dma_start3A_44, %dma_start3A_45] : memref<32x80x128xi32, #tpu.memory_space<hbm>> -> memref<1x80x128xi32, #tpu.memory_space<hbm>>
      %dma_start3A_47 = tpu.memref_squeeze %dma_start3A_46 : memref<1x80x128xi32, #tpu.memory_space<hbm>> -> memref<80x128xi32, #tpu.memory_space<hbm>>
      %dma_start3A_48 = arith.constant 0 : i32
      %dma_start3A_49 = arith.constant 0 : i32
      %dma_start3A_50 = tpu.memref_slice %arg4[%add3A, %dma_start3A_48, %dma_start3A_49] : memref<32x80x128xi32, #tpu.memory_space<hbm>> -> memref<1x80x128xi32, #tpu.memory_space<hbm>>
      %dma_start3A_51 = tpu.memref_squeeze %dma_start3A_50 : memref<1x80x128xi32, #tpu.memory_space<hbm>> -> memref<80x128xi32, #tpu.memory_space<hbm>>
      tpu.enqueue_dma source(%dma_start3A_51 : memref<80x128xi32, #tpu.memory_space<hbm>>) target(%arg8 : memref<80x128xi32, #tpu.memory_space<vmem>>) target_semaphore(%run_scoped3A : memref<!tpu.dma_semaphore, #tpu.memory_space<semaphore_mem>>)
      %dma_wait3A_52 = arith.constant 0 : i32
      %dma_wait3A_53 = arith.constant 0 : i32
      %dma_wait3A_54 = tpu.memref_slice %arg4[%add3A, %dma_wait3A_52, %dma_wait3A_53] : memref<32x80x128xi32, #tpu.memory_space<hbm>> -> memref<1x80x128xi32, #tpu.memory_space<hbm>>
      %dma_wait3A_55 = tpu.memref_squeeze %dma_wait3A_54 : memref<1x80x128xi32, #tpu.memory_space<hbm>> -> memref<80x128xi32, #tpu.memory_space<hbm>>
      %dma_wait3A_56 = arith.constant 0 : i32
      %dma_wait3A_57 = arith.constant 0 : i32
      %dma_wait3A_58 = tpu.memref_slice %arg4[%add3A, %dma_wait3A_56, %dma_wait3A_57] : memref<32x80x128xi32, #tpu.memory_space<hbm>> -> memref<1x80x128xi32, #tpu.memory_space<hbm>>
      %dma_wait3A_59 = tpu.memref_squeeze %dma_wait3A_58 : memref<1x80x128xi32, #tpu.memory_space<hbm>> -> memref<80x128xi32, #tpu.memory_space<hbm>>
      tpu.wait_dma2 semaphore(%run_scoped3A : memref<!tpu.dma_semaphore, #tpu.memory_space<semaphore_mem>>) src(%dma_wait3A_59 : memref<80x128xi32, #tpu.memory_space<hbm>>) dst(%arg8 : memref<80x128xi32, #tpu.memory_space<vmem>>)
      tpu.yield
    }) : () -> ()
    %mul3A_1 = arith.constant 640 : i32
    %mul3A_2 = arith.muli %arg1, %mul3A_1 : i32
    "tpu.region"() ({
      %run_scoped3A = tpu.sem_alloc : memref<!tpu.dma_semaphore, #tpu.memory_space<semaphore_mem>>
      %dma_start3A_44 = arith.constant 0 : i32
      %dma_start3A_45 = tpu.memref_slice %arg7[%mul3A_2, %dma_start3A_44] : memref<10240x128xf32, #tpu.memory_space<vmem_shared>> -> memref<640x128xf32, #tpu.memory_space<vmem_shared>>
      tpu.enqueue_dma source(%arg5 : memref<640x128xf32, #tpu.memory_space<hbm>>) target(%dma_start3A_45 : memref<640x128xf32, #tpu.memory_space<vmem_shared>>) target_semaphore(%run_scoped3A : memref<!tpu.dma_semaphore, #tpu.memory_space<semaphore_mem>>)
      %dma_wait3A_46 = arith.constant 0 : i32
      %dma_wait3A_47 = tpu.memref_slice %arg7[%mul3A_2, %dma_wait3A_46] : memref<10240x128xf32, #tpu.memory_space<vmem_shared>> -> memref<640x128xf32, #tpu.memory_space<vmem_shared>>
      tpu.wait_dma2 semaphore(%run_scoped3A : memref<!tpu.dma_semaphore, #tpu.memory_space<semaphore_mem>>) src(%arg5 : memref<640x128xf32, #tpu.memory_space<hbm>>) dst(%dma_wait3A_47 : memref<640x128xf32, #tpu.memory_space<vmem_shared>>)
      tpu.yield
    }) : () -> ()
    %barrier3A = arith.constant 0 : index
    tpu.barrier barrier_id(%barrier3A)
    %dma_start3A = arith.constant 0 : i32
    %dma_start3A_3 = arith.constant 0 : i32
    %dma_start3A_4 = tpu.memref_slice %arg3[%add3A, %dma_start3A, %dma_start3A_3] : memref<32x80x128xi32, #tpu.memory_space<hbm>> -> memref<1x1x128xi32, #tpu.memory_space<hbm>>
    %dma_start3A_5 = tpu.memref_squeeze %dma_start3A_4 : memref<1x1x128xi32, #tpu.memory_space<hbm>> -> memref<128xi32, #tpu.memory_space<hbm>>
    %dma_start3A_6 = arith.constant 0 : i32
    %dma_start3A_7 = tpu.memref_slice %arg3[%add3A, %dma_start3A, %dma_start3A_6] : memref<32x80x128xi32, #tpu.memory_space<hbm>> -> memref<1x1x128xi32, #tpu.memory_space<hbm>>
    %dma_start3A_8 = tpu.memref_squeeze %dma_start3A_7 : memref<1x1x128xi32, #tpu.memory_space<hbm>> -> memref<128xi32, #tpu.memory_space<hbm>>
    tpu.enqueue_dma source(%dma_start3A_8 : memref<128xi32, #tpu.memory_space<hbm>>) target(%arg9 : memref<128xi32, #tpu.memory_space<vmem>>) target_semaphore(%arg13 : memref<!tpu.dma_semaphore, #tpu.memory_space<semaphore_mem>>)
    %dma_wait3A = arith.constant 0 : i32
    %dma_wait3A_9 = arith.constant 0 : i32
    %dma_wait3A_10 = tpu.memref_slice %arg3[%add3A, %dma_wait3A, %dma_wait3A_9] : memref<32x80x128xi32, #tpu.memory_space<hbm>> -> memref<1x1x128xi32, #tpu.memory_space<hbm>>
    %dma_wait3A_11 = tpu.memref_squeeze %dma_wait3A_10 : memref<1x1x128xi32, #tpu.memory_space<hbm>> -> memref<128xi32, #tpu.memory_space<hbm>>
    %dma_wait3A_12 = arith.constant 0 : i32
    %dma_wait3A_13 = tpu.memref_slice %arg3[%add3A, %dma_wait3A, %dma_wait3A_12] : memref<32x80x128xi32, #tpu.memory_space<hbm>> -> memref<1x1x128xi32, #tpu.memory_space<hbm>>
    %dma_wait3A_14 = tpu.memref_squeeze %dma_wait3A_13 : memref<1x1x128xi32, #tpu.memory_space<hbm>> -> memref<128xi32, #tpu.memory_space<hbm>>
    tpu.wait_dma2 semaphore(%arg13 : memref<!tpu.dma_semaphore, #tpu.memory_space<semaphore_mem>>) src(%dma_wait3A_14 : memref<128xi32, #tpu.memory_space<hbm>>) dst(%arg9 : memref<128xi32, #tpu.memory_space<vmem>>)
    %dma_start3A_15 = arith.constant 0 : i32
    %dma_start3A_16 = arith.constant 0 : i32
    %dma_start3A_17 = tpu.memref_slice %arg2[%dma_start3A_15, %dma_start3A_16] : memref<10000x128xf32, #tpu.memory_space<hbm>> -> memref<10000x128xf32, #tpu.memory_space<hbm>>
    tpu.enqueue_indirect_dma source(%dma_start3A_17 : memref<10000x128xf32, #tpu.memory_space<hbm>>) target(%arg11 : memref<128x128xf32, #tpu.memory_space<vmem>>) offsets(%arg9 : memref<128xi32, #tpu.memory_space<vmem>>) semaphore(%arg15 : memref<!tpu.dma_semaphore, #tpu.memory_space<semaphore_mem>>)
    %dma_start3A_18 = arith.constant 1 : i32
    %dma_start3A_19 = arith.constant 0 : i32
    %dma_start3A_20 = tpu.memref_slice %arg3[%add3A, %dma_start3A_18, %dma_start3A_19] : memref<32x80x128xi32, #tpu.memory_space<hbm>> -> memref<1x1x128xi32, #tpu.memory_space<hbm>>
    %dma_start3A_21 = tpu.memref_squeeze %dma_start3A_20 : memref<1x1x128xi32, #tpu.memory_space<hbm>> -> memref<128xi32, #tpu.memory_space<hbm>>
    %dma_start3A_22 = arith.constant 0 : i32
    %dma_start3A_23 = tpu.memref_slice %arg3[%add3A, %dma_start3A_18, %dma_start3A_22] : memref<32x80x128xi32, #tpu.memory_space<hbm>> -> memref<1x1x128xi32, #tpu.memory_space<hbm>>
    %dma_start3A_24 = tpu.memref_squeeze %dma_start3A_23 : memref<1x1x128xi32, #tpu.memory_space<hbm>> -> memref<128xi32, #tpu.memory_space<hbm>>
    tpu.enqueue_dma source(%dma_start3A_24 : memref<128xi32, #tpu.memory_space<hbm>>) target(%arg10 : memref<128xi32, #tpu.memory_space<vmem>>) target_semaphore(%arg14 : memref<!tpu.dma_semaphore, #tpu.memory_space<semaphore_mem>>)
    %scan3A = arith.constant 0 : i32
    %scan3A_25 = arith.constant 0 : i32
    %scan3A_26 = arith.constant 40 : i32
    %scan3A_27 = arith.addi %scan3A_25, %scan3A_26 : i32
    %scan3A_28 = arith.constant 1 : i32
    scf.for %scan3A_44 = %scan3A_25 to %scan3A_27 step %scan3A_28  : i32 {
      %mul3A_45 = arith.constant 2 : i32
      %mul3A_46 = arith.muli %mul3A_45, %scan3A_44 : i32
      %add3A_47 = arith.constant 1 : i32
      %add3A_48 = arith.addi %mul3A_46, %add3A_47 : i32
      %gt3A = arith.constant 0 : i32
      %gt3A_49 = arith.cmpi sgt, %scan3A_44, %gt3A : i32
      %convert_element_type3A_50 = arith.extui %gt3A_49 : i1 to i32
      %cond3A_51 = arith.constant 0 : i32
      %cond3A_52 = arith.cmpi ne, %convert_element_type3A_50, %cond3A_51 : i32
      scf.if %cond3A_52 {
        %sub3A = arith.constant 1 : i32
        %sub3A_100 = arith.subi %mul3A_46, %sub3A : i32
        %dma_wait3A_101 = arith.constant 0 : i32
        %dma_wait3A_102 = tpu.memref_slice %arg8[%sub3A_100, %dma_wait3A_101] : memref<80x128xi32, #tpu.memory_space<vmem>> -> memref<1x128xi32, #tpu.memory_space<vmem>>
        %dma_wait3A_103 = tpu.memref_squeeze %dma_wait3A_102 : memref<1x128xi32, #tpu.memory_space<vmem>> -> memref<128xi32, #tpu.memory_space<vmem>>
        %dma_wait3A_104 = arith.constant 0 : i32
        %dma_wait3A_105 = arith.constant 0 : i32
        %dma_wait3A_106 = tpu.memref_slice %arg7[%dma_wait3A_104, %dma_wait3A_105] : memref<10240x128xf32, #tpu.memory_space<vmem_shared>> -> memref<10240x128xf32, #tpu.memory_space<vmem_shared>>
        tpu.wait_indirect_dma semaphore(%arg18 : memref<!tpu.dma_semaphore, #tpu.memory_space<semaphore_mem>>) src(%arg12 : memref<128x128xf32, #tpu.memory_space<vmem>>) dst(%dma_wait3A_106 : memref<10240x128xf32, #tpu.memory_space<vmem_shared>>)
      } else {
      }
      %dma_wait3A_53 = arith.constant 0 : i32
      %dma_wait3A_54 = tpu.memref_slice %arg3[%add3A, %add3A_48, %dma_wait3A_53] : memref<32x80x128xi32, #tpu.memory_space<hbm>> -> memref<1x1x128xi32, #tpu.memory_space<hbm>>
      %dma_wait3A_55 = tpu.memref_squeeze %dma_wait3A_54 : memref<1x1x128xi32, #tpu.memory_space<hbm>> -> memref<128xi32, #tpu.memory_space<hbm>>
      %dma_wait3A_56 = arith.constant 0 : i32
      %dma_wait3A_57 = tpu.memref_slice %arg3[%add3A, %add3A_48, %dma_wait3A_56] : memref<32x80x128xi32, #tpu.memory_space<hbm>> -> memref<1x1x128xi32, #tpu.memory_space<hbm>>
      %dma_wait3A_58 = tpu.memref_squeeze %dma_wait3A_57 : memref<1x1x128xi32, #tpu.memory_space<hbm>> -> memref<128xi32, #tpu.memory_space<hbm>>
      tpu.wait_dma2 semaphore(%arg14 : memref<!tpu.dma_semaphore, #tpu.memory_space<semaphore_mem>>) src(%dma_wait3A_58 : memref<128xi32, #tpu.memory_space<hbm>>) dst(%arg10 : memref<128xi32, #tpu.memory_space<vmem>>)
      %dma_start3A_59 = arith.constant 0 : i32
      %dma_start3A_60 = arith.constant 0 : i32
      %dma_start3A_61 = tpu.memref_slice %arg2[%dma_start3A_59, %dma_start3A_60] : memref<10000x128xf32, #tpu.memory_space<hbm>> -> memref<10000x128xf32, #tpu.memory_space<hbm>>
      tpu.enqueue_indirect_dma source(%dma_start3A_61 : memref<10000x128xf32, #tpu.memory_space<hbm>>) target(%arg12 : memref<128x128xf32, #tpu.memory_space<vmem>>) offsets(%arg10 : memref<128xi32, #tpu.memory_space<vmem>>) semaphore(%arg16 : memref<!tpu.dma_semaphore, #tpu.memory_space<semaphore_mem>>)
      %dma_wait3A_62 = arith.constant 0 : i32
      %dma_wait3A_63 = arith.constant 0 : i32
      %dma_wait3A_64 = tpu.memref_slice %arg2[%dma_wait3A_62, %dma_wait3A_63] : memref<10000x128xf32, #tpu.memory_space<hbm>> -> memref<10000x128xf32, #tpu.memory_space<hbm>>
      tpu.wait_indirect_dma semaphore(%arg15 : memref<!tpu.dma_semaphore, #tpu.memory_space<semaphore_mem>>) src(%dma_wait3A_64 : memref<10000x128xf32, #tpu.memory_space<hbm>>) dst(%arg11 : memref<128x128xf32, #tpu.memory_space<vmem>>)
      %lt3A = arith.constant 39 : i32
      %lt3A_65 = arith.cmpi slt, %scan3A_44, %lt3A : i32
      %convert_element_type3A_66 = arith.extui %lt3A_65 : i1 to i32
      %cond3A_67 = arith.constant 0 : i32
      %cond3A_68 = arith.cmpi ne, %convert_element_type3A_66, %cond3A_67 : i32
      scf.if %cond3A_68 {
        %add3A_100 = arith.constant 2 : i32
        %add3A_101 = arith.addi %mul3A_46, %add3A_100 : i32
        %dma_start3A_102 = arith.constant 0 : i32
        %dma_start3A_103 = tpu.memref_slice %arg3[%add3A, %add3A_101, %dma_start3A_102] : memref<32x80x128xi32, #tpu.memory_space<hbm>> -> memref<1x1x128xi32, #tpu.memory_space<hbm>>
        %dma_start3A_104 = tpu.memref_squeeze %dma_start3A_103 : memref<1x1x128xi32, #tpu.memory_space<hbm>> -> memref<128xi32, #tpu.memory_space<hbm>>
        %dma_start3A_105 = arith.constant 0 : i32
        %dma_start3A_106 = tpu.memref_slice %arg3[%add3A, %add3A_101, %dma_start3A_105] : memref<32x80x128xi32, #tpu.memory_space<hbm>> -> memref<1x1x128xi32, #tpu.memory_space<hbm>>
        %dma_start3A_107 = tpu.memref_squeeze %dma_start3A_106 : memref<1x1x128xi32, #tpu.memory_space<hbm>> -> memref<128xi32, #tpu.memory_space<hbm>>
        tpu.enqueue_dma source(%dma_start3A_107 : memref<128xi32, #tpu.memory_space<hbm>>) target(%arg9 : memref<128xi32, #tpu.memory_space<vmem>>) target_semaphore(%arg13 : memref<!tpu.dma_semaphore, #tpu.memory_space<semaphore_mem>>)
      } else {
      }
      %dma_start3A_69 = arith.constant 0 : i32
      %dma_start3A_70 = tpu.memref_slice %arg8[%mul3A_46, %dma_start3A_69] : memref<80x128xi32, #tpu.memory_space<vmem>> -> memref<1x128xi32, #tpu.memory_space<vmem>>
      %dma_start3A_71 = tpu.memref_squeeze %dma_start3A_70 : memref<1x128xi32, #tpu.memory_space<vmem>> -> memref<128xi32, #tpu.memory_space<vmem>>
      %dma_start3A_72 = arith.constant 0 : i32
      %dma_start3A_73 = arith.constant 0 : i32
      %dma_start3A_74 = tpu.memref_slice %arg7[%dma_start3A_72, %dma_start3A_73] : memref<10240x128xf32, #tpu.memory_space<vmem_shared>> -> memref<10240x128xf32, #tpu.memory_space<vmem_shared>>
      tpu.enqueue_indirect_dma source(%arg11 : memref<128x128xf32, #tpu.memory_space<vmem>>) target(%dma_start3A_74 : memref<10240x128xf32, #tpu.memory_space<vmem_shared>>) offsets(%dma_start3A_71 : memref<128xi32, #tpu.memory_space<vmem>>) semaphore(%arg17 : memref<!tpu.dma_semaphore, #tpu.memory_space<semaphore_mem>>) {add = true}
      %dma_wait3A_75 = arith.constant 0 : i32
      %dma_wait3A_76 = tpu.memref_slice %arg8[%mul3A_46, %dma_wait3A_75] : memref<80x128xi32, #tpu.memory_space<vmem>> -> memref<1x128xi32, #tpu.memory_space<vmem>>
      %dma_wait3A_77 = tpu.memref_squeeze %dma_wait3A_76 : memref<1x128xi32, #tpu.memory_space<vmem>> -> memref<128xi32, #tpu.memory_space<vmem>>
      %dma_wait3A_78 = arith.constant 0 : i32
      %dma_wait3A_79 = arith.constant 0 : i32
      %dma_wait3A_80 = tpu.memref_slice %arg7[%dma_wait3A_78, %dma_wait3A_79] : memref<10240x128xf32, #tpu.memory_space<vmem_shared>> -> memref<10240x128xf32, #tpu.memory_space<vmem_shared>>
      tpu.wait_indirect_dma semaphore(%arg17 : memref<!tpu.dma_semaphore, #tpu.memory_space<semaphore_mem>>) src(%arg11 : memref<128x128xf32, #tpu.memory_space<vmem>>) dst(%dma_wait3A_80 : memref<10240x128xf32, #tpu.memory_space<vmem_shared>>)
      %lt3A_81 = arith.constant 39 : i32
      %lt3A_82 = arith.cmpi slt, %scan3A_44, %lt3A_81 : i32
      %convert_element_type3A_83 = arith.extui %lt3A_82 : i1 to i32
      %cond3A_84 = arith.constant 0 : i32
      %cond3A_85 = arith.cmpi ne, %convert_element_type3A_83, %cond3A_84 : i32
      scf.if %cond3A_85 {
        %add3A_100 = arith.constant 2 : i32
        %add3A_101 = arith.addi %mul3A_46, %add3A_100 : i32
        %dma_wait3A_102 = arith.constant 0 : i32
        %dma_wait3A_103 = tpu.memref_slice %arg3[%add3A, %add3A_101, %dma_wait3A_102] : memref<32x80x128xi32, #tpu.memory_space<hbm>> -> memref<1x1x128xi32, #tpu.memory_space<hbm>>
        %dma_wait3A_104 = tpu.memref_squeeze %dma_wait3A_103 : memref<1x1x128xi32, #tpu.memory_space<hbm>> -> memref<128xi32, #tpu.memory_space<hbm>>
        %dma_wait3A_105 = arith.constant 0 : i32
        %dma_wait3A_106 = tpu.memref_slice %arg3[%add3A, %add3A_101, %dma_wait3A_105] : memref<32x80x128xi32, #tpu.memory_space<hbm>> -> memref<1x1x128xi32, #tpu.memory_space<hbm>>
        %dma_wait3A_107 = tpu.memref_squeeze %dma_wait3A_106 : memref<1x1x128xi32, #tpu.memory_space<hbm>> -> memref<128xi32, #tpu.memory_space<hbm>>
        tpu.wait_dma2 semaphore(%arg13 : memref<!tpu.dma_semaphore, #tpu.memory_space<semaphore_mem>>) src(%dma_wait3A_107 : memref<128xi32, #tpu.memory_space<hbm>>) dst(%arg9 : memref<128xi32, #tpu.memory_space<vmem>>)
        %dma_start3A_108 = arith.constant 0 : i32
        %dma_start3A_109 = arith.constant 0 : i32
        %dma_start3A_110 = tpu.memref_slice %arg2[%dma_start3A_108, %dma_start3A_109] : memref<10000x128xf32, #tpu.memory_space<hbm>> -> memref<10000x128xf32, #tpu.memory_space<hbm>>
        tpu.enqueue_indirect_dma source(%dma_start3A_110 : memref<10000x128xf32, #tpu.memory_space<hbm>>) target(%arg11 : memref<128x128xf32, #tpu.memory_space<vmem>>) offsets(%arg9 : memref<128xi32, #tpu.memory_space<vmem>>) semaphore(%arg15 : memref<!tpu.dma_semaphore, #tpu.memory_space<semaphore_mem>>)
      } else {
      }
      %dma_wait3A_86 = arith.constant 0 : i32
      %dma_wait3A_87 = arith.constant 0 : i32
      %dma_wait3A_88 = tpu.memref_slice %arg2[%dma_wait3A_86, %dma_wait3A_87] : memref<10000x128xf32, #tpu.memory_space<hbm>> -> memref<10000x128xf32, #tpu.memory_space<hbm>>
      tpu.wait_indirect_dma semaphore(%arg16 : memref<!tpu.dma_semaphore, #tpu.memory_space<semaphore_mem>>) src(%dma_wait3A_88 : memref<10000x128xf32, #tpu.memory_space<hbm>>) dst(%arg12 : memref<128x128xf32, #tpu.memory_space<vmem>>)
      %lt3A_89 = arith.constant 39 : i32
      %lt3A_90 = arith.cmpi slt, %scan3A_44, %lt3A_89 : i32
      %convert_element_type3A_91 = arith.extui %lt3A_90 : i1 to i32
      %cond3A_92 = arith.constant 0 : i32
      %cond3A_93 = arith.cmpi ne, %convert_element_type3A_91, %cond3A_92 : i32
      scf.if %cond3A_93 {
        %add3A_100 = arith.constant 2 : i32
        %add3A_101 = arith.addi %add3A_48, %add3A_100 : i32
        %dma_start3A_102 = arith.constant 0 : i32
        %dma_start3A_103 = tpu.memref_slice %arg3[%add3A, %add3A_101, %dma_start3A_102] : memref<32x80x128xi32, #tpu.memory_space<hbm>> -> memref<1x1x128xi32, #tpu.memory_space<hbm>>
        %dma_start3A_104 = tpu.memref_squeeze %dma_start3A_103 : memref<1x1x128xi32, #tpu.memory_space<hbm>> -> memref<128xi32, #tpu.memory_space<hbm>>
        %dma_start3A_105 = arith.constant 0 : i32
        %dma_start3A_106 = tpu.memref_slice %arg3[%add3A, %add3A_101, %dma_start3A_105] : memref<32x80x128xi32, #tpu.memory_space<hbm>> -> memref<1x1x128xi32, #tpu.memory_space<hbm>>
        %dma_start3A_107 = tpu.memref_squeeze %dma_start3A_106 : memref<1x1x128xi32, #tpu.memory_space<hbm>> -> memref<128xi32, #tpu.memory_space<hbm>>
        tpu.enqueue_dma source(%dma_start3A_107 : memref<128xi32, #tpu.memory_space<hbm>>) target(%arg10 : memref<128xi32, #tpu.memory_space<vmem>>) target_semaphore(%arg14 : memref<!tpu.dma_semaphore, #tpu.memory_space<semaphore_mem>>)
      } else {
      }
      %dma_start3A_94 = arith.constant 0 : i32
      %dma_start3A_95 = tpu.memref_slice %arg8[%add3A_48, %dma_start3A_94] : memref<80x128xi32, #tpu.memory_space<vmem>> -> memref<1x128xi32, #tpu.memory_space<vmem>>
      %dma_start3A_96 = tpu.memref_squeeze %dma_start3A_95 : memref<1x128xi32, #tpu.memory_space<vmem>> -> memref<128xi32, #tpu.memory_space<vmem>>
      %dma_start3A_97 = arith.constant 0 : i32
      %dma_start3A_98 = arith.constant 0 : i32
      %dma_start3A_99 = tpu.memref_slice %arg7[%dma_start3A_97, %dma_start3A_98] : memref<10240x128xf32, #tpu.memory_space<vmem_shared>> -> memref<10240x128xf32, #tpu.memory_space<vmem_shared>>
      tpu.enqueue_indirect_dma source(%arg12 : memref<128x128xf32, #tpu.memory_space<vmem>>) target(%dma_start3A_99 : memref<10240x128xf32, #tpu.memory_space<vmem_shared>>) offsets(%dma_start3A_96 : memref<128xi32, #tpu.memory_space<vmem>>) semaphore(%arg18 : memref<!tpu.dma_semaphore, #tpu.memory_space<semaphore_mem>>) {add = true}
    }
    %scan3A_29 = arith.constant 40 : i32
    %dma_wait3A_30 = arith.constant 79 : i32
    %dma_wait3A_31 = arith.constant 0 : i32
    %dma_wait3A_32 = tpu.memref_slice %arg8[%dma_wait3A_30, %dma_wait3A_31] : memref<80x128xi32, #tpu.memory_space<vmem>> -> memref<1x128xi32, #tpu.memory_space<vmem>>
    %dma_wait3A_33 = tpu.memref_squeeze %dma_wait3A_32 : memref<1x128xi32, #tpu.memory_space<vmem>> -> memref<128xi32, #tpu.memory_space<vmem>>
    %dma_wait3A_34 = arith.constant 0 : i32
    %dma_wait3A_35 = arith.constant 0 : i32
    %dma_wait3A_36 = tpu.memref_slice %arg7[%dma_wait3A_34, %dma_wait3A_35] : memref<10240x128xf32, #tpu.memory_space<vmem_shared>> -> memref<10240x128xf32, #tpu.memory_space<vmem_shared>>
    tpu.wait_indirect_dma semaphore(%arg18 : memref<!tpu.dma_semaphore, #tpu.memory_space<semaphore_mem>>) src(%arg12 : memref<128x128xf32, #tpu.memory_space<vmem>>) dst(%dma_wait3A_36 : memref<10240x128xf32, #tpu.memory_space<vmem_shared>>)
    %barrier3A_37 = arith.constant 0 : index
    tpu.barrier barrier_id(%barrier3A_37)
    %mul3A_38 = arith.constant 624 : i32
    %mul3A_39 = arith.muli %arg1, %mul3A_38 : i32
    %mul3A_40 = arith.constant 624 : i32
    %mul3A_41 = arith.muli %arg1, %mul3A_40 : i32
    "tpu.region"() ({
      %run_scoped3A = tpu.sem_alloc : memref<!tpu.dma_semaphore, #tpu.memory_space<semaphore_mem>>
      %dma_start3A_44 = arith.constant 0 : i32
      %dma_start3A_45 = tpu.memref_slice %arg6[%arg0, %mul3A_41, %dma_start3A_44] : memref<2x10000x128xf32, #tpu.memory_space<hbm>> -> memref<1x624x128xf32, #tpu.memory_space<hbm>>
      %dma_start3A_46 = tpu.memref_squeeze %dma_start3A_45 : memref<1x624x128xf32, #tpu.memory_space<hbm>> -> memref<624x128xf32, #tpu.memory_space<hbm>>
      %dma_start3A_47 = arith.constant 0 : i32
      %dma_start3A_48 = tpu.memref_slice %arg7[%mul3A_39, %dma_start3A_47] : memref<10240x128xf32, #tpu.memory_space<vmem_shared>> -> memref<624x128xf32, #tpu.memory_space<vmem_shared>>
      tpu.enqueue_dma source(%dma_start3A_48 : memref<624x128xf32, #tpu.memory_space<vmem_shared>>) target(%dma_start3A_46 : memref<624x128xf32, #tpu.memory_space<hbm>>) target_semaphore(%run_scoped3A : memref<!tpu.dma_semaphore, #tpu.memory_space<semaphore_mem>>)
      %dma_wait3A_49 = arith.constant 0 : i32
      %dma_wait3A_50 = tpu.memref_slice %arg6[%arg0, %mul3A_41, %dma_wait3A_49] : memref<2x10000x128xf32, #tpu.memory_space<hbm>> -> memref<1x624x128xf32, #tpu.memory_space<hbm>>
      %dma_wait3A_51 = tpu.memref_squeeze %dma_wait3A_50 : memref<1x624x128xf32, #tpu.memory_space<hbm>> -> memref<624x128xf32, #tpu.memory_space<hbm>>
      %dma_wait3A_52 = arith.constant 0 : i32
      %dma_wait3A_53 = tpu.memref_slice %arg7[%mul3A_39, %dma_wait3A_52] : memref<10240x128xf32, #tpu.memory_space<vmem_shared>> -> memref<624x128xf32, #tpu.memory_space<vmem_shared>>
      tpu.wait_dma2 semaphore(%run_scoped3A : memref<!tpu.dma_semaphore, #tpu.memory_space<semaphore_mem>>) src(%dma_wait3A_53 : memref<624x128xf32, #tpu.memory_space<vmem_shared>>) dst(%dma_wait3A_51 : memref<624x128xf32, #tpu.memory_space<hbm>>)
      tpu.yield
    }) : () -> ()
    %eq3A = arith.constant 0 : i32
    %eq3A_42 = arith.cmpi eq, %arg1, %eq3A : i32
    %convert_element_type3A = arith.extui %eq3A_42 : i1 to i32
    %cond3A = arith.constant 0 : i32
    %cond3A_43 = arith.cmpi ne, %convert_element_type3A, %cond3A : i32
    scf.if %cond3A_43 {
      "tpu.region"() ({
        %run_scoped3A = tpu.sem_alloc : memref<!tpu.dma_semaphore, #tpu.memory_space<semaphore_mem>>
        %dma_start3A_44 = arith.constant 9984 : i32
        %dma_start3A_45 = arith.constant 0 : i32
        %dma_start3A_46 = tpu.memref_slice %arg6[%arg0, %dma_start3A_44, %dma_start3A_45] : memref<2x10000x128xf32, #tpu.memory_space<hbm>> -> memref<1x16x128xf32, #tpu.memory_space<hbm>>
        %dma_start3A_47 = tpu.memref_squeeze %dma_start3A_46 : memref<1x16x128xf32, #tpu.memory_space<hbm>> -> memref<16x128xf32, #tpu.memory_space<hbm>>
        %dma_start3A_48 = arith.constant 9984 : i32
        %dma_start3A_49 = arith.constant 0 : i32
        %dma_start3A_50 = tpu.memref_slice %arg7[%dma_start3A_48, %dma_start3A_49] : memref<10240x128xf32, #tpu.memory_space<vmem_shared>> -> memref<16x128xf32, #tpu.memory_space<vmem_shared>>
        tpu.enqueue_dma source(%dma_start3A_50 : memref<16x128xf32, #tpu.memory_space<vmem_shared>>) target(%dma_start3A_47 : memref<16x128xf32, #tpu.memory_space<hbm>>) target_semaphore(%run_scoped3A : memref<!tpu.dma_semaphore, #tpu.memory_space<semaphore_mem>>)
        %dma_wait3A_51 = arith.constant 9984 : i32
        %dma_wait3A_52 = arith.constant 0 : i32
        %dma_wait3A_53 = tpu.memref_slice %arg6[%arg0, %dma_wait3A_51, %dma_wait3A_52] : memref<2x10000x128xf32, #tpu.memory_space<hbm>> -> memref<1x16x128xf32, #tpu.memory_space<hbm>>
        %dma_wait3A_54 = tpu.memref_squeeze %dma_wait3A_53 : memref<1x16x128xf32, #tpu.memory_space<hbm>> -> memref<16x128xf32, #tpu.memory_space<hbm>>
        %dma_wait3A_55 = arith.constant 9984 : i32
        %dma_wait3A_56 = arith.constant 0 : i32
        %dma_wait3A_57 = tpu.memref_slice %arg7[%dma_wait3A_55, %dma_wait3A_56] : memref<10240x128xf32, #tpu.memory_space<vmem_shared>> -> memref<16x128xf32, #tpu.memory_space<vmem_shared>>
        tpu.wait_dma2 semaphore(%run_scoped3A : memref<!tpu.dma_semaphore, #tpu.memory_space<semaphore_mem>>) src(%dma_wait3A_57 : memref<16x128xf32, #tpu.memory_space<vmem_shared>>) dst(%dma_wait3A_54 : memref<16x128xf32, #tpu.memory_space<hbm>>)
        tpu.yield
      }) : () -> ()
    } else {
    }
    return
  }
}

#map = affine_map<(d0, d1) -> (0, 0)>
#map1 = affine_map<(d0, d1) -> (0, 0, 0)>
module attributes {stable_mosaic.version = 14 : i64} {
  func.func @_segsum_body(%arg0: i32, %arg1: i32, %arg2: memref<10000x128xf32, #tpu.memory_space<hbm>>, %arg3: memref<32x80x128xi32, #tpu.memory_space<hbm>>, %arg4: memref<32x80x128xi32, #tpu.memory_space<hbm>>, %arg5: memref<640x128xf32, #tpu.memory_space<hbm>>, %arg6: memref<2x10000x128xf32, #tpu.memory_space<hbm>>, %arg7: memref<10240x128xf32, #tpu.memory_space<vmem_shared>>, %arg8: memref<80x128xi32, #tpu.memory_space<vmem>>, %arg9: memref<128xi32, #tpu.memory_space<vmem>>, %arg10: memref<128xi32, #tpu.memory_space<vmem>>, %arg11: memref<128x128xf32, #tpu.memory_space<vmem>>, %arg12: memref<128x128xf32, #tpu.memory_space<vmem>>, %arg13: memref<!tpu.dma_semaphore, #tpu.memory_space<semaphore_mem>>, %arg14: memref<!tpu.dma_semaphore, #tpu.memory_space<semaphore_mem>>, %arg15: memref<!tpu.dma_semaphore, #tpu.memory_space<semaphore_mem>>, %arg16: memref<!tpu.dma_semaphore, #tpu.memory_space<semaphore_mem>>, %arg17: memref<!tpu.dma_semaphore, #tpu.memory_space<semaphore_mem>>, %arg18: memref<!tpu.dma_semaphore, #tpu.memory_space<semaphore_mem>>) attributes {dimension_semantics = [#tpu.dimension_semantics<core_parallel>, #tpu.dimension_semantics<subcore_parallel>], iteration_bounds = array<i64: 2, 16>, scalar_prefetch = 0 : i64, scratch_operands = 12 : i64, tpu.core_type = #tpu.core_type<sc_vector_subcore>, window_params = [{transform_indices = #map}, {transform_indices = #map1}, {transform_indices = #map1}, {transform_indices = #map}, {transform_indices = #map1}]} {
    %mul3A = arith.constant 16 : i32
    %mul3A_0 = arith.muli %arg0, %mul3A : i32
    %add3A = arith.addi %mul3A_0, %arg1 : i32
    "tpu.region"() ({
      %run_scoped3A = tpu.sem_alloc : memref<!tpu.dma_semaphore, #tpu.memory_space<semaphore_mem>>
      %dma_start3A_44 = arith.constant 0 : i32
      %dma_start3A_45 = arith.constant 0 : i32
      %dma_start3A_46 = tpu.memref_slice %arg4[%add3A, %dma_start3A_44, %dma_start3A_45] : memref<32x80x128xi32, #tpu.memory_space<hbm>> -> memref<1x80x128xi32, #tpu.memory_space<hbm>>
      %dma_start3A_47 = tpu.memref_squeeze %dma_start3A_46 : memref<1x80x128xi32, #tpu.memory_space<hbm>> -> memref<80x128xi32, #tpu.memory_space<hbm>>
      %dma_start3A_48 = arith.constant 0 : i32
      %dma_start3A_49 = arith.constant 0 : i32
      %dma_start3A_50 = tpu.memref_slice %arg4[%add3A, %dma_start3A_48, %dma_start3A_49] : memref<32x80x128xi32, #tpu.memory_space<hbm>> -> memref<1x80x128xi32, #tpu.memory_space<hbm>>
      %dma_start3A_51 = tpu.memref_squeeze %dma_start3A_50 : memref<1x80x128xi32, #tpu.memory_space<hbm>> -> memref<80x128xi32, #tpu.memory_space<hbm>>
      tpu.enqueue_dma source(%dma_start3A_51 : memref<80x128xi32, #tpu.memory_space<hbm>>) target(%arg8 : memref<80x128xi32, #tpu.memory_space<vmem>>) target_semaphore(%run_scoped3A : memref<!tpu.dma_semaphore, #tpu.memory_space<semaphore_mem>>)
      %dma_wait3A_52 = arith.constant 0 : i32
      %dma_wait3A_53 = arith.constant 0 : i32
      %dma_wait3A_54 = tpu.memref_slice %arg4[%add3A, %dma_wait3A_52, %dma_wait3A_53] : memref<32x80x128xi32, #tpu.memory_space<hbm>> -> memref<1x80x128xi32, #tpu.memory_space<hbm>>
      %dma_wait3A_55 = tpu.memref_squeeze %dma_wait3A_54 : memref<1x80x128xi32, #tpu.memory_space<hbm>> -> memref<80x128xi32, #tpu.memory_space<hbm>>
      %dma_wait3A_56 = arith.constant 0 : i32
      %dma_wait3A_57 = arith.constant 0 : i32
      %dma_wait3A_58 = tpu.memref_slice %arg4[%add3A, %dma_wait3A_56, %dma_wait3A_57] : memref<32x80x128xi32, #tpu.memory_space<hbm>> -> memref<1x80x128xi32, #tpu.memory_space<hbm>>
      %dma_wait3A_59 = tpu.memref_squeeze %dma_wait3A_58 : memref<1x80x128xi32, #tpu.memory_space<hbm>> -> memref<80x128xi32, #tpu.memory_space<hbm>>
      tpu.wait_dma2 semaphore(%run_scoped3A : memref<!tpu.dma_semaphore, #tpu.memory_space<semaphore_mem>>) src(%dma_wait3A_59 : memref<80x128xi32, #tpu.memory_space<hbm>>) dst(%arg8 : memref<80x128xi32, #tpu.memory_space<vmem>>)
      tpu.yield
    }) : () -> ()
    %mul3A_1 = arith.constant 640 : i32
    %mul3A_2 = arith.muli %arg1, %mul3A_1 : i32
    "tpu.region"() ({
      %run_scoped3A = tpu.sem_alloc : memref<!tpu.dma_semaphore, #tpu.memory_space<semaphore_mem>>
      %dma_start3A_44 = arith.constant 0 : i32
      %dma_start3A_45 = tpu.memref_slice %arg7[%mul3A_2, %dma_start3A_44] : memref<10240x128xf32, #tpu.memory_space<vmem_shared>> -> memref<640x128xf32, #tpu.memory_space<vmem_shared>>
      tpu.enqueue_dma source(%arg5 : memref<640x128xf32, #tpu.memory_space<hbm>>) target(%dma_start3A_45 : memref<640x128xf32, #tpu.memory_space<vmem_shared>>) target_semaphore(%run_scoped3A : memref<!tpu.dma_semaphore, #tpu.memory_space<semaphore_mem>>)
      %dma_wait3A_46 = arith.constant 0 : i32
      %dma_wait3A_47 = tpu.memref_slice %arg7[%mul3A_2, %dma_wait3A_46] : memref<10240x128xf32, #tpu.memory_space<vmem_shared>> -> memref<640x128xf32, #tpu.memory_space<vmem_shared>>
      tpu.wait_dma2 semaphore(%run_scoped3A : memref<!tpu.dma_semaphore, #tpu.memory_space<semaphore_mem>>) src(%arg5 : memref<640x128xf32, #tpu.memory_space<hbm>>) dst(%dma_wait3A_47 : memref<640x128xf32, #tpu.memory_space<vmem_shared>>)
      tpu.yield
    }) : () -> ()
    %barrier3A = arith.constant 0 : index
    tpu.barrier barrier_id(%barrier3A)
    %dma_start3A = arith.constant 0 : i32
    %dma_start3A_3 = arith.constant 0 : i32
    %dma_start3A_4 = tpu.memref_slice %arg3[%add3A, %dma_start3A, %dma_start3A_3] : memref<32x80x128xi32, #tpu.memory_space<hbm>> -> memref<1x1x128xi32, #tpu.memory_space<hbm>>
    %dma_start3A_5 = tpu.memref_squeeze %dma_start3A_4 : memref<1x1x128xi32, #tpu.memory_space<hbm>> -> memref<128xi32, #tpu.memory_space<hbm>>
    %dma_start3A_6 = arith.constant 0 : i32
    %dma_start3A_7 = tpu.memref_slice %arg3[%add3A, %dma_start3A, %dma_start3A_6] : memref<32x80x128xi32, #tpu.memory_space<hbm>> -> memref<1x1x128xi32, #tpu.memory_space<hbm>>
    %dma_start3A_8 = tpu.memref_squeeze %dma_start3A_7 : memref<1x1x128xi32, #tpu.memory_space<hbm>> -> memref<128xi32, #tpu.memory_space<hbm>>
    tpu.enqueue_dma source(%dma_start3A_8 : memref<128xi32, #tpu.memory_space<hbm>>) target(%arg9 : memref<128xi32, #tpu.memory_space<vmem>>) target_semaphore(%arg13 : memref<!tpu.dma_semaphore, #tpu.memory_space<semaphore_mem>>)
    %dma_wait3A = arith.constant 0 : i32
    %dma_wait3A_9 = arith.constant 0 : i32
    %dma_wait3A_10 = tpu.memref_slice %arg3[%add3A, %dma_wait3A, %dma_wait3A_9] : memref<32x80x128xi32, #tpu.memory_space<hbm>> -> memref<1x1x128xi32, #tpu.memory_space<hbm>>
    %dma_wait3A_11 = tpu.memref_squeeze %dma_wait3A_10 : memref<1x1x128xi32, #tpu.memory_space<hbm>> -> memref<128xi32, #tpu.memory_space<hbm>>
    %dma_wait3A_12 = arith.constant 0 : i32
    %dma_wait3A_13 = tpu.memref_slice %arg3[%add3A, %dma_wait3A, %dma_wait3A_12] : memref<32x80x128xi32, #tpu.memory_space<hbm>> -> memref<1x1x128xi32, #tpu.memory_space<hbm>>
    %dma_wait3A_14 = tpu.memref_squeeze %dma_wait3A_13 : memref<1x1x128xi32, #tpu.memory_space<hbm>> -> memref<128xi32, #tpu.memory_space<hbm>>
    tpu.wait_dma2 semaphore(%arg13 : memref<!tpu.dma_semaphore, #tpu.memory_space<semaphore_mem>>) src(%dma_wait3A_14 : memref<128xi32, #tpu.memory_space<hbm>>) dst(%arg9 : memref<128xi32, #tpu.memory_space<vmem>>)
    %dma_start3A_15 = arith.constant 0 : i32
    %dma_start3A_16 = arith.constant 0 : i32
    %dma_start3A_17 = tpu.memref_slice %arg2[%dma_start3A_15, %dma_start3A_16] : memref<10000x128xf32, #tpu.memory_space<hbm>> -> memref<10000x128xf32, #tpu.memory_space<hbm>>
    tpu.enqueue_indirect_dma source(%dma_start3A_17 : memref<10000x128xf32, #tpu.memory_space<hbm>>) target(%arg11 : memref<128x128xf32, #tpu.memory_space<vmem>>) offsets(%arg9 : memref<128xi32, #tpu.memory_space<vmem>>) semaphore(%arg15 : memref<!tpu.dma_semaphore, #tpu.memory_space<semaphore_mem>>)
    %dma_start3A_18 = arith.constant 1 : i32
    %dma_start3A_19 = arith.constant 0 : i32
    %dma_start3A_20 = tpu.memref_slice %arg3[%add3A, %dma_start3A_18, %dma_start3A_19] : memref<32x80x128xi32, #tpu.memory_space<hbm>> -> memref<1x1x128xi32, #tpu.memory_space<hbm>>
    %dma_start3A_21 = tpu.memref_squeeze %dma_start3A_20 : memref<1x1x128xi32, #tpu.memory_space<hbm>> -> memref<128xi32, #tpu.memory_space<hbm>>
    %dma_start3A_22 = arith.constant 0 : i32
    %dma_start3A_23 = tpu.memref_slice %arg3[%add3A, %dma_start3A_18, %dma_start3A_22] : memref<32x80x128xi32, #tpu.memory_space<hbm>> -> memref<1x1x128xi32, #tpu.memory_space<hbm>>
    %dma_start3A_24 = tpu.memref_squeeze %dma_start3A_23 : memref<1x1x128xi32, #tpu.memory_space<hbm>> -> memref<128xi32, #tpu.memory_space<hbm>>
    tpu.enqueue_dma source(%dma_start3A_24 : memref<128xi32, #tpu.memory_space<hbm>>) target(%arg10 : memref<128xi32, #tpu.memory_space<vmem>>) target_semaphore(%arg14 : memref<!tpu.dma_semaphore, #tpu.memory_space<semaphore_mem>>)
    %scan3A = arith.constant 0 : i32
    %scan3A_25 = arith.constant 0 : i32
    %scan3A_26 = arith.constant 40 : i32
    %scan3A_27 = arith.addi %scan3A_25, %scan3A_26 : i32
    %scan3A_28 = arith.constant 1 : i32
    scf.for %scan3A_44 = %scan3A_25 to %scan3A_27 step %scan3A_28  : i32 {
      %mul3A_45 = arith.constant 2 : i32
      %mul3A_46 = arith.muli %mul3A_45, %scan3A_44 : i32
      %add3A_47 = arith.constant 1 : i32
      %add3A_48 = arith.addi %mul3A_46, %add3A_47 : i32
      %gt3A = arith.constant 0 : i32
      %gt3A_49 = arith.cmpi sgt, %scan3A_44, %gt3A : i32
      %convert_element_type3A_50 = arith.extui %gt3A_49 : i1 to i32
      %cond3A_51 = arith.constant 0 : i32
      %cond3A_52 = arith.cmpi ne, %convert_element_type3A_50, %cond3A_51 : i32
      scf.if %cond3A_52 {
        %sub3A = arith.constant 1 : i32
        %sub3A_100 = arith.subi %mul3A_46, %sub3A : i32
        %dma_wait3A_101 = arith.constant 0 : i32
        %dma_wait3A_102 = tpu.memref_slice %arg8[%sub3A_100, %dma_wait3A_101] : memref<80x128xi32, #tpu.memory_space<vmem>> -> memref<1x128xi32, #tpu.memory_space<vmem>>
        %dma_wait3A_103 = tpu.memref_squeeze %dma_wait3A_102 : memref<1x128xi32, #tpu.memory_space<vmem>> -> memref<128xi32, #tpu.memory_space<vmem>>
        %dma_wait3A_104 = arith.constant 0 : i32
        %dma_wait3A_105 = arith.constant 0 : i32
        %dma_wait3A_106 = tpu.memref_slice %arg7[%dma_wait3A_104, %dma_wait3A_105] : memref<10240x128xf32, #tpu.memory_space<vmem_shared>> -> memref<10240x128xf32, #tpu.memory_space<vmem_shared>>
        tpu.wait_indirect_dma semaphore(%arg18 : memref<!tpu.dma_semaphore, #tpu.memory_space<semaphore_mem>>) src(%arg12 : memref<128x128xf32, #tpu.memory_space<vmem>>) dst(%dma_wait3A_106 : memref<10240x128xf32, #tpu.memory_space<vmem_shared>>)
      } else {
      }
      %dma_wait3A_53 = arith.constant 0 : i32
      %dma_wait3A_54 = tpu.memref_slice %arg3[%add3A, %add3A_48, %dma_wait3A_53] : memref<32x80x128xi32, #tpu.memory_space<hbm>> -> memref<1x1x128xi32, #tpu.memory_space<hbm>>
      %dma_wait3A_55 = tpu.memref_squeeze %dma_wait3A_54 : memref<1x1x128xi32, #tpu.memory_space<hbm>> -> memref<128xi32, #tpu.memory_space<hbm>>
      %dma_wait3A_56 = arith.constant 0 : i32
      %dma_wait3A_57 = tpu.memref_slice %arg3[%add3A, %add3A_48, %dma_wait3A_56] : memref<32x80x128xi32, #tpu.memory_space<hbm>> -> memref<1x1x128xi32, #tpu.memory_space<hbm>>
      %dma_wait3A_58 = tpu.memref_squeeze %dma_wait3A_57 : memref<1x1x128xi32, #tpu.memory_space<hbm>> -> memref<128xi32, #tpu.memory_space<hbm>>
      tpu.wait_dma2 semaphore(%arg14 : memref<!tpu.dma_semaphore, #tpu.memory_space<semaphore_mem>>) src(%dma_wait3A_58 : memref<128xi32, #tpu.memory_space<hbm>>) dst(%arg10 : memref<128xi32, #tpu.memory_space<vmem>>)
      %dma_start3A_59 = arith.constant 0 : i32
      %dma_start3A_60 = arith.constant 0 : i32
      %dma_start3A_61 = tpu.memref_slice %arg2[%dma_start3A_59, %dma_start3A_60] : memref<10000x128xf32, #tpu.memory_space<hbm>> -> memref<10000x128xf32, #tpu.memory_space<hbm>>
      tpu.enqueue_indirect_dma source(%dma_start3A_61 : memref<10000x128xf32, #tpu.memory_space<hbm>>) target(%arg12 : memref<128x128xf32, #tpu.memory_space<vmem>>) offsets(%arg10 : memref<128xi32, #tpu.memory_space<vmem>>) semaphore(%arg16 : memref<!tpu.dma_semaphore, #tpu.memory_space<semaphore_mem>>)
      %dma_wait3A_62 = arith.constant 0 : i32
      %dma_wait3A_63 = arith.constant 0 : i32
      %dma_wait3A_64 = tpu.memref_slice %arg2[%dma_wait3A_62, %dma_wait3A_63] : memref<10000x128xf32, #tpu.memory_space<hbm>> -> memref<10000x128xf32, #tpu.memory_space<hbm>>
      tpu.wait_indirect_dma semaphore(%arg15 : memref<!tpu.dma_semaphore, #tpu.memory_space<semaphore_mem>>) src(%dma_wait3A_64 : memref<10000x128xf32, #tpu.memory_space<hbm>>) dst(%arg11 : memref<128x128xf32, #tpu.memory_space<vmem>>)
      %lt3A = arith.constant 39 : i32
      %lt3A_65 = arith.cmpi slt, %scan3A_44, %lt3A : i32
      %convert_element_type3A_66 = arith.extui %lt3A_65 : i1 to i32
      %cond3A_67 = arith.constant 0 : i32
      %cond3A_68 = arith.cmpi ne, %convert_element_type3A_66, %cond3A_67 : i32
      scf.if %cond3A_68 {
        %add3A_100 = arith.constant 2 : i32
        %add3A_101 = arith.addi %mul3A_46, %add3A_100 : i32
        %dma_start3A_102 = arith.constant 0 : i32
        %dma_start3A_103 = tpu.memref_slice %arg3[%add3A, %add3A_101, %dma_start3A_102] : memref<32x80x128xi32, #tpu.memory_space<hbm>> -> memref<1x1x128xi32, #tpu.memory_space<hbm>>
        %dma_start3A_104 = tpu.memref_squeeze %dma_start3A_103 : memref<1x1x128xi32, #tpu.memory_space<hbm>> -> memref<128xi32, #tpu.memory_space<hbm>>
        %dma_start3A_105 = arith.constant 0 : i32
        %dma_start3A_106 = tpu.memref_slice %arg3[%add3A, %add3A_101, %dma_start3A_105] : memref<32x80x128xi32, #tpu.memory_space<hbm>> -> memref<1x1x128xi32, #tpu.memory_space<hbm>>
        %dma_start3A_107 = tpu.memref_squeeze %dma_start3A_106 : memref<1x1x128xi32, #tpu.memory_space<hbm>> -> memref<128xi32, #tpu.memory_space<hbm>>
        tpu.enqueue_dma source(%dma_start3A_107 : memref<128xi32, #tpu.memory_space<hbm>>) target(%arg9 : memref<128xi32, #tpu.memory_space<vmem>>) target_semaphore(%arg13 : memref<!tpu.dma_semaphore, #tpu.memory_space<semaphore_mem>>)
      } else {
      }
      %dma_start3A_69 = arith.constant 0 : i32
      %dma_start3A_70 = tpu.memref_slice %arg8[%mul3A_46, %dma_start3A_69] : memref<80x128xi32, #tpu.memory_space<vmem>> -> memref<1x128xi32, #tpu.memory_space<vmem>>
      %dma_start3A_71 = tpu.memref_squeeze %dma_start3A_70 : memref<1x128xi32, #tpu.memory_space<vmem>> -> memref<128xi32, #tpu.memory_space<vmem>>
      %dma_start3A_72 = arith.constant 0 : i32
      %dma_start3A_73 = arith.constant 0 : i32
      %dma_start3A_74 = tpu.memref_slice %arg7[%dma_start3A_72, %dma_start3A_73] : memref<10240x128xf32, #tpu.memory_space<vmem_shared>> -> memref<10240x128xf32, #tpu.memory_space<vmem_shared>>
      tpu.enqueue_indirect_dma source(%arg11 : memref<128x128xf32, #tpu.memory_space<vmem>>) target(%dma_start3A_74 : memref<10240x128xf32, #tpu.memory_space<vmem_shared>>) offsets(%dma_start3A_71 : memref<128xi32, #tpu.memory_space<vmem>>) semaphore(%arg17 : memref<!tpu.dma_semaphore, #tpu.memory_space<semaphore_mem>>) {add = true}
      %dma_wait3A_75 = arith.constant 0 : i32
      %dma_wait3A_76 = tpu.memref_slice %arg8[%mul3A_46, %dma_wait3A_75] : memref<80x128xi32, #tpu.memory_space<vmem>> -> memref<1x128xi32, #tpu.memory_space<vmem>>
      %dma_wait3A_77 = tpu.memref_squeeze %dma_wait3A_76 : memref<1x128xi32, #tpu.memory_space<vmem>> -> memref<128xi32, #tpu.memory_space<vmem>>
      %dma_wait3A_78 = arith.constant 0 : i32
      %dma_wait3A_79 = arith.constant 0 : i32
      %dma_wait3A_80 = tpu.memref_slice %arg7[%dma_wait3A_78, %dma_wait3A_79] : memref<10240x128xf32, #tpu.memory_space<vmem_shared>> -> memref<10240x128xf32, #tpu.memory_space<vmem_shared>>
      tpu.wait_indirect_dma semaphore(%arg17 : memref<!tpu.dma_semaphore, #tpu.memory_space<semaphore_mem>>) src(%arg11 : memref<128x128xf32, #tpu.memory_space<vmem>>) dst(%dma_wait3A_80 : memref<10240x128xf32, #tpu.memory_space<vmem_shared>>)
      %lt3A_81 = arith.constant 39 : i32
      %lt3A_82 = arith.cmpi slt, %scan3A_44, %lt3A_81 : i32
      %convert_element_type3A_83 = arith.extui %lt3A_82 : i1 to i32
      %cond3A_84 = arith.constant 0 : i32
      %cond3A_85 = arith.cmpi ne, %convert_element_type3A_83, %cond3A_84 : i32
      scf.if %cond3A_85 {
        %add3A_100 = arith.constant 2 : i32
        %add3A_101 = arith.addi %mul3A_46, %add3A_100 : i32
        %dma_wait3A_102 = arith.constant 0 : i32
        %dma_wait3A_103 = tpu.memref_slice %arg3[%add3A, %add3A_101, %dma_wait3A_102] : memref<32x80x128xi32, #tpu.memory_space<hbm>> -> memref<1x1x128xi32, #tpu.memory_space<hbm>>
        %dma_wait3A_104 = tpu.memref_squeeze %dma_wait3A_103 : memref<1x1x128xi32, #tpu.memory_space<hbm>> -> memref<128xi32, #tpu.memory_space<hbm>>
        %dma_wait3A_105 = arith.constant 0 : i32
        %dma_wait3A_106 = tpu.memref_slice %arg3[%add3A, %add3A_101, %dma_wait3A_105] : memref<32x80x128xi32, #tpu.memory_space<hbm>> -> memref<1x1x128xi32, #tpu.memory_space<hbm>>
        %dma_wait3A_107 = tpu.memref_squeeze %dma_wait3A_106 : memref<1x1x128xi32, #tpu.memory_space<hbm>> -> memref<128xi32, #tpu.memory_space<hbm>>
        tpu.wait_dma2 semaphore(%arg13 : memref<!tpu.dma_semaphore, #tpu.memory_space<semaphore_mem>>) src(%dma_wait3A_107 : memref<128xi32, #tpu.memory_space<hbm>>) dst(%arg9 : memref<128xi32, #tpu.memory_space<vmem>>)
        %dma_start3A_108 = arith.constant 0 : i32
        %dma_start3A_109 = arith.constant 0 : i32
        %dma_start3A_110 = tpu.memref_slice %arg2[%dma_start3A_108, %dma_start3A_109] : memref<10000x128xf32, #tpu.memory_space<hbm>> -> memref<10000x128xf32, #tpu.memory_space<hbm>>
        tpu.enqueue_indirect_dma source(%dma_start3A_110 : memref<10000x128xf32, #tpu.memory_space<hbm>>) target(%arg11 : memref<128x128xf32, #tpu.memory_space<vmem>>) offsets(%arg9 : memref<128xi32, #tpu.memory_space<vmem>>) semaphore(%arg15 : memref<!tpu.dma_semaphore, #tpu.memory_space<semaphore_mem>>)
      } else {
      }
      %dma_wait3A_86 = arith.constant 0 : i32
      %dma_wait3A_87 = arith.constant 0 : i32
      %dma_wait3A_88 = tpu.memref_slice %arg2[%dma_wait3A_86, %dma_wait3A_87] : memref<10000x128xf32, #tpu.memory_space<hbm>> -> memref<10000x128xf32, #tpu.memory_space<hbm>>
      tpu.wait_indirect_dma semaphore(%arg16 : memref<!tpu.dma_semaphore, #tpu.memory_space<semaphore_mem>>) src(%dma_wait3A_88 : memref<10000x128xf32, #tpu.memory_space<hbm>>) dst(%arg12 : memref<128x128xf32, #tpu.memory_space<vmem>>)
      %lt3A_89 = arith.constant 39 : i32
      %lt3A_90 = arith.cmpi slt, %scan3A_44, %lt3A_89 : i32
      %convert_element_type3A_91 = arith.extui %lt3A_90 : i1 to i32
      %cond3A_92 = arith.constant 0 : i32
      %cond3A_93 = arith.cmpi ne, %convert_element_type3A_91, %cond3A_92 : i32
      scf.if %cond3A_93 {
        %add3A_100 = arith.constant 2 : i32
        %add3A_101 = arith.addi %add3A_48, %add3A_100 : i32
        %dma_start3A_102 = arith.constant 0 : i32
        %dma_start3A_103 = tpu.memref_slice %arg3[%add3A, %add3A_101, %dma_start3A_102] : memref<32x80x128xi32, #tpu.memory_space<hbm>> -> memref<1x1x128xi32, #tpu.memory_space<hbm>>
        %dma_start3A_104 = tpu.memref_squeeze %dma_start3A_103 : memref<1x1x128xi32, #tpu.memory_space<hbm>> -> memref<128xi32, #tpu.memory_space<hbm>>
        %dma_start3A_105 = arith.constant 0 : i32
        %dma_start3A_106 = tpu.memref_slice %arg3[%add3A, %add3A_101, %dma_start3A_105] : memref<32x80x128xi32, #tpu.memory_space<hbm>> -> memref<1x1x128xi32, #tpu.memory_space<hbm>>
        %dma_start3A_107 = tpu.memref_squeeze %dma_start3A_106 : memref<1x1x128xi32, #tpu.memory_space<hbm>> -> memref<128xi32, #tpu.memory_space<hbm>>
        tpu.enqueue_dma source(%dma_start3A_107 : memref<128xi32, #tpu.memory_space<hbm>>) target(%arg10 : memref<128xi32, #tpu.memory_space<vmem>>) target_semaphore(%arg14 : memref<!tpu.dma_semaphore, #tpu.memory_space<semaphore_mem>>)
      } else {
      }
      %dma_start3A_94 = arith.constant 0 : i32
      %dma_start3A_95 = tpu.memref_slice %arg8[%add3A_48, %dma_start3A_94] : memref<80x128xi32, #tpu.memory_space<vmem>> -> memref<1x128xi32, #tpu.memory_space<vmem>>
      %dma_start3A_96 = tpu.memref_squeeze %dma_start3A_95 : memref<1x128xi32, #tpu.memory_space<vmem>> -> memref<128xi32, #tpu.memory_space<vmem>>
      %dma_start3A_97 = arith.constant 0 : i32
      %dma_start3A_98 = arith.constant 0 : i32
      %dma_start3A_99 = tpu.memref_slice %arg7[%dma_start3A_97, %dma_start3A_98] : memref<10240x128xf32, #tpu.memory_space<vmem_shared>> -> memref<10240x128xf32, #tpu.memory_space<vmem_shared>>
      tpu.enqueue_indirect_dma source(%arg12 : memref<128x128xf32, #tpu.memory_space<vmem>>) target(%dma_start3A_99 : memref<10240x128xf32, #tpu.memory_space<vmem_shared>>) offsets(%dma_start3A_96 : memref<128xi32, #tpu.memory_space<vmem>>) semaphore(%arg18 : memref<!tpu.dma_semaphore, #tpu.memory_space<semaphore_mem>>) {add = true}
    }
    %scan3A_29 = arith.constant 40 : i32
    %dma_wait3A_30 = arith.constant 79 : i32
    %dma_wait3A_31 = arith.constant 0 : i32
    %dma_wait3A_32 = tpu.memref_slice %arg8[%dma_wait3A_30, %dma_wait3A_31] : memref<80x128xi32, #tpu.memory_space<vmem>> -> memref<1x128xi32, #tpu.memory_space<vmem>>
    %dma_wait3A_33 = tpu.memref_squeeze %dma_wait3A_32 : memref<1x128xi32, #tpu.memory_space<vmem>> -> memref<128xi32, #tpu.memory_space<vmem>>
    %dma_wait3A_34 = arith.constant 0 : i32
    %dma_wait3A_35 = arith.constant 0 : i32
    %dma_wait3A_36 = tpu.memref_slice %arg7[%dma_wait3A_34, %dma_wait3A_35] : memref<10240x128xf32, #tpu.memory_space<vmem_shared>> -> memref<10240x128xf32, #tpu.memory_space<vmem_shared>>
    tpu.wait_indirect_dma semaphore(%arg18 : memref<!tpu.dma_semaphore, #tpu.memory_space<semaphore_mem>>) src(%arg12 : memref<128x128xf32, #tpu.memory_space<vmem>>) dst(%dma_wait3A_36 : memref<10240x128xf32, #tpu.memory_space<vmem_shared>>)
    %barrier3A_37 = arith.constant 0 : index
    tpu.barrier barrier_id(%barrier3A_37)
    %mul3A_38 = arith.constant 624 : i32
    %mul3A_39 = arith.muli %arg1, %mul3A_38 : i32
    %mul3A_40 = arith.constant 624 : i32
    %mul3A_41 = arith.muli %arg1, %mul3A_40 : i32
    "tpu.region"() ({
      %run_scoped3A = tpu.sem_alloc : memref<!tpu.dma_semaphore, #tpu.memory_space<semaphore_mem>>
      %dma_start3A_44 = arith.constant 0 : i32
      %dma_start3A_45 = tpu.memref_slice %arg6[%arg0, %mul3A_41, %dma_start3A_44] : memref<2x10000x128xf32, #tpu.memory_space<hbm>> -> memref<1x624x128xf32, #tpu.memory_space<hbm>>
      %dma_start3A_46 = tpu.memref_squeeze %dma_start3A_45 : memref<1x624x128xf32, #tpu.memory_space<hbm>> -> memref<624x128xf32, #tpu.memory_space<hbm>>
      %dma_start3A_47 = arith.constant 0 : i32
      %dma_start3A_48 = tpu.memref_slice %arg7[%mul3A_39, %dma_start3A_47] : memref<10240x128xf32, #tpu.memory_space<vmem_shared>> -> memref<624x128xf32, #tpu.memory_space<vmem_shared>>
      tpu.enqueue_dma source(%dma_start3A_48 : memref<624x128xf32, #tpu.memory_space<vmem_shared>>) target(%dma_start3A_46 : memref<624x128xf32, #tpu.memory_space<hbm>>) target_semaphore(%run_scoped3A : memref<!tpu.dma_semaphore, #tpu.memory_space<semaphore_mem>>)
      %dma_wait3A_49 = arith.constant 0 : i32
      %dma_wait3A_50 = tpu.memref_slice %arg6[%arg0, %mul3A_41, %dma_wait3A_49] : memref<2x10000x128xf32, #tpu.memory_space<hbm>> -> memref<1x624x128xf32, #tpu.memory_space<hbm>>
      %dma_wait3A_51 = tpu.memref_squeeze %dma_wait3A_50 : memref<1x624x128xf32, #tpu.memory_space<hbm>> -> memref<624x128xf32, #tpu.memory_space<hbm>>
      %dma_wait3A_52 = arith.constant 0 : i32
      %dma_wait3A_53 = tpu.memref_slice %arg7[%mul3A_39, %dma_wait3A_52] : memref<10240x128xf32, #tpu.memory_space<vmem_shared>> -> memref<624x128xf32, #tpu.memory_space<vmem_shared>>
      tpu.wait_dma2 semaphore(%run_scoped3A : memref<!tpu.dma_semaphore, #tpu.memory_space<semaphore_mem>>) src(%dma_wait3A_53 : memref<624x128xf32, #tpu.memory_space<vmem_shared>>) dst(%dma_wait3A_51 : memref<624x128xf32, #tpu.memory_space<hbm>>)
      tpu.yield
    }) : () -> ()
    %eq3A = arith.constant 0 : i32
    %eq3A_42 = arith.cmpi eq, %arg1, %eq3A : i32
    %convert_element_type3A = arith.extui %eq3A_42 : i1 to i32
    %cond3A = arith.constant 0 : i32
    %cond3A_43 = arith.cmpi ne, %convert_element_type3A, %cond3A : i32
    scf.if %cond3A_43 {
      "tpu.region"() ({
        %run_scoped3A = tpu.sem_alloc : memref<!tpu.dma_semaphore, #tpu.memory_space<semaphore_mem>>
        %dma_start3A_44 = arith.constant 9984 : i32
        %dma_start3A_45 = arith.constant 0 : i32
        %dma_start3A_46 = tpu.memref_slice %arg6[%arg0, %dma_start3A_44, %dma_start3A_45] : memref<2x10000x128xf32, #tpu.memory_space<hbm>> -> memref<1x16x128xf32, #tpu.memory_space<hbm>>
        %dma_start3A_47 = tpu.memref_squeeze %dma_start3A_46 : memref<1x16x128xf32, #tpu.memory_space<hbm>> -> memref<16x128xf32, #tpu.memory_space<hbm>>
        %dma_start3A_48 = arith.constant 9984 : i32
        %dma_start3A_49 = arith.constant 0 : i32
        %dma_start3A_50 = tpu.memref_slice %arg7[%dma_start3A_48, %dma_start3A_49] : memref<10240x128xf32, #tpu.memory_space<vmem_shared>> -> memref<16x128xf32, #tpu.memory_space<vmem_shared>>
        tpu.enqueue_dma source(%dma_start3A_50 : memref<16x128xf32, #tpu.memory_space<vmem_shared>>) target(%dma_start3A_47 : memref<16x128xf32, #tpu.memory_space<hbm>>) target_semaphore(%run_scoped3A : memref<!tpu.dma_semaphore, #tpu.memory_space<semaphore_mem>>)
        %dma_wait3A_51 = arith.constant 9984 : i32
        %dma_wait3A_52 = arith.constant 0 : i32
        %dma_wait3A_53 = tpu.memref_slice %arg6[%arg0, %dma_wait3A_51, %dma_wait3A_52] : memref<2x10000x128xf32, #tpu.memory_space<hbm>> -> memref<1x16x128xf32, #tpu.memory_space<hbm>>
        %dma_wait3A_54 = tpu.memref_squeeze %dma_wait3A_53 : memref<1x16x128xf32, #tpu.memory_space<hbm>> -> memref<16x128xf32, #tpu.memory_space<hbm>>
        %dma_wait3A_55 = arith.constant 9984 : i32
        %dma_wait3A_56 = arith.constant 0 : i32
        %dma_wait3A_57 = tpu.memref_slice %arg7[%dma_wait3A_55, %dma_wait3A_56] : memref<10240x128xf32, #tpu.memory_space<vmem_shared>> -> memref<16x128xf32, #tpu.memory_space<vmem_shared>>
        tpu.wait_dma2 semaphore(%run_scoped3A : memref<!tpu.dma_semaphore, #tpu.memory_space<semaphore_mem>>) src(%dma_wait3A_57 : memref<16x128xf32, #tpu.memory_space<vmem_shared>>) dst(%dma_wait3A_54 : memref<16x128xf32, #tpu.memory_space<hbm>>)
        tpu.yield
      }) : () -> ()
    } else {
    }
    return
  }
}

module attributes {stable_mosaic.version = 14 : i64} {
  func.func @_tc_dis_body(%arg0: memref<2x80x128xf32, #tpu.memory_space<vmem>>, %arg1: memref<80x128xf32, #tpu.memory_space<vmem>>) attributes {dimension_semantics = [], scalar_prefetch = 0 : i64, scratch_operands = 0 : i64, tpu.core_type = #tpu.core_type<tc>} {
    %get3A = arith.constant 0 : index
    %get3A_0 = arith.constant 0 : index
    %get3A_1 = arith.constant 0 : index
    %get3A_2 = vector.load %arg0[%get3A, %get3A_0, %get3A_1] : memref<2x80x128xf32, #tpu.memory_space<vmem>>, vector<1x80x128xf32>
    %get3A_3 = vector.shape_cast %get3A_2 : vector<1x80x128xf32> to vector<80x128xf32>
    %get3A_4 = arith.constant 1 : index
    %get3A_5 = arith.constant 0 : index
    %get3A_6 = arith.constant 0 : index
    %get3A_7 = vector.load %arg0[%get3A_4, %get3A_5, %get3A_6] : memref<2x80x128xf32, #tpu.memory_space<vmem>>, vector<1x80x128xf32>
    %get3A_8 = vector.shape_cast %get3A_7 : vector<1x80x128xf32> to vector<80x128xf32>
    %add3A = arith.addf %get3A_3, %get3A_8 : vector<80x128xf32>
    %add3A_9 = arith.constant 1.000000e+00 : f32
    %add3A_10 = vector.broadcast %add3A_9 : f32 to vector<80x128xf32>
    %add3A_11 = arith.addf %add3A, %add3A_10 : vector<80x128xf32>
    %rsqrt3A = math.rsqrt %add3A_11 : vector<80x128xf32>
    %swap3A = arith.constant 0 : index
    %swap3A_12 = arith.constant 0 : index
    %swap3A_13 = vector.load %arg1[%swap3A, %swap3A_12] : memref<80x128xf32, #tpu.memory_space<vmem>>, vector<80x128xf32>
    tpu.vector_store %arg1[%swap3A, %swap3A_12], %rsqrt3A {strides = array<i32>} : memref<80x128xf32, #tpu.memory_space<vmem>>, vector<80x128xf32>,
    return
  }
}

module attributes {stable_mosaic.version = 14 : i64} {
  func.func @_tc_mid_body(%arg0: i32, %arg1: memref<1000x1xf32, #tpu.memory_space<vmem>>, %arg2: memref<2x1000x128xf32, #tpu.memory_space<vmem>>, %arg3: memref<1000x128xf32, #tpu.memory_space<vmem>>, %arg4: memref<1x128xf32, #tpu.memory_space<vmem>>, %arg5: memref<128x128xf32, #tpu.memory_space<vmem>>, %arg6: memref<1000x128xf32, #tpu.memory_space<vmem>>) attributes {dimension_semantics = [#tpu.dimension_semantics<arbitrary>], iteration_bounds = array<i64: 10>, scalar_prefetch = 0 : i64, scratch_operands = 0 : i64, tpu.core_type = #tpu.core_type<tc>, window_params = [{transform_indices = @transform_0, window_bounds = array<i64: 1000, 1>}, {transform_indices = @transform_1, window_bounds = array<i64: 2, 1000, 128>}, {transform_indices = @transform_2, window_bounds = array<i64: 1000, 128>}, {pipeline_mode = #tpu.pipeline_mode<synchronous>, transform_indices = @transform_3, window_bounds = array<i64: 1, 128>}, {pipeline_mode = #tpu.pipeline_mode<synchronous>, transform_indices = @transform_4, window_bounds = array<i64: 128, 128>}, {transform_indices = @transform_5, window_bounds = array<i64: 1000, 128>}]} {
    %get3A = arith.constant 0 : index
    %get3A_0 = arith.constant 0 : index
    %get3A_1 = vector.load %arg1[%get3A, %get3A_0] : memref<1000x1xf32, #tpu.memory_space<vmem>>, vector<1000x1xf32>
    %get3A_2 = arith.constant 0 : index
    %get3A_3 = arith.constant 0 : index
    %get3A_4 = arith.constant 0 : index
    %get3A_5 = vector.load %arg2[%get3A_2, %get3A_3, %get3A_4] : memref<2x1000x128xf32, #tpu.memory_space<vmem>>, vector<1x1000x128xf32>
    %get3A_6 = vector.shape_cast %get3A_5 : vector<1x1000x128xf32> to vector<1000x128xf32>
    %get3A_7 = arith.constant 1 : index
    %get3A_8 = arith.constant 0 : index
    %get3A_9 = arith.constant 0 : index
    %get3A_10 = vector.load %arg2[%get3A_7, %get3A_8, %get3A_9] : memref<2x1000x128xf32, #tpu.memory_space<vmem>>, vector<1x1000x128xf32>
    %get3A_11 = vector.shape_cast %get3A_10 : vector<1x1000x128xf32> to vector<1000x128xf32>
    %add3A = arith.addf %get3A_6, %get3A_11 : vector<1000x128xf32>
    %get3A_12 = arith.constant 0 : index
    %get3A_13 = arith.constant 0 : index
    %get3A_14 = vector.load %arg3[%get3A_12, %get3A_13] : memref<1000x128xf32, #tpu.memory_space<vmem>>, vector<1000x128xf32>
    %add3A_15 = arith.addf %add3A, %get3A_14 : vector<1000x128xf32>
    %mul3A = vector.broadcast %get3A_1 : vector<1000x1xf32> to vector<1000x128xf32>
    %mul3A_16 = arith.mulf %mul3A, %add3A_15 : vector<1000x128xf32>
    %get3A_17 = arith.constant 0 : index
    %get3A_18 = arith.constant 0 : index
    %get3A_19 = vector.load %arg4[%get3A_17, %get3A_18] : memref<1x128xf32, #tpu.memory_space<vmem>>, vector<1x128xf32>
    %add3A_20 = vector.broadcast %get3A_19 : vector<1x128xf32> to vector<1000x128xf32>
    %add3A_21 = arith.addf %mul3A_16, %add3A_20 : vector<1000x128xf32>
    %max3A = arith.constant 0.000000e+00 : f32
    %max3A_22 = vector.broadcast %max3A : f32 to vector<1000x128xf32>
    %max3A_23 = arith.maximumf %add3A_21, %max3A_22 : vector<1000x128xf32>
    %get3A_24 = arith.constant 0 : index
    %get3A_25 = arith.constant 0 : index
    %get3A_26 = vector.load %arg5[%get3A_24, %get3A_25] : memref<128x128xf32, #tpu.memory_space<vmem>>, vector<128x128xf32>
    %dot_general3A = arith.constant dense<0.000000e+00> : vector<1000x128xf32>
    %dot_general3A_27 = tpu.matmul %max3A_23, %get3A_26, %dot_general3A {dimension_numbers = #tpu.dot_dimension_numbers<[1], [0], [0], [1], [0, 0, 1, 1], [], []>, transpose_lhs_hint = false} : vector<1000x128xf32>, vector<128x128xf32>, vector<1000x128xf32> -> vector<1000x128xf32>
    %mul3A_28 = vector.broadcast %get3A_1 : vector<1000x1xf32> to vector<1000x128xf32>
    %mul3A_29 = arith.mulf %dot_general3A_27, %mul3A_28 : vector<1000x128xf32>
    %swap3A = arith.constant 0 : index
    %swap3A_30 = arith.constant 0 : index
    %swap3A_31 = vector.load %arg6[%swap3A, %swap3A_30] : memref<1000x128xf32, #tpu.memory_space<vmem>>, vector<1000x128xf32>
    tpu.vector_store %arg6[%swap3A, %swap3A_30], %mul3A_29 {strides = array<i32>} : memref<1000x128xf32, #tpu.memory_space<vmem>>, vector<1000x128xf32>,
    return
  }
  func.func @transform_0(%arg0: i32) -> (i32, i32) {
    %c0_i32 = arith.constant 0 : i32
    %c0_i32_0 = arith.constant 0 : i32
    return %arg0, %c0_i32 : i32, i32
  }
  func.func @transform_1(%arg0: i32) -> (i32, i32, i32) {
    %c0_i32 = arith.constant 0 : i32
    %c0_i32_0 = arith.constant 0 : i32
    %c0_i32_1 = arith.constant 0 : i32
    return %c0_i32, %arg0, %c0_i32_0 : i32, i32, i32
  }
  func.func @transform_2(%arg0: i32) -> (i32, i32) {
    %c0_i32 = arith.constant 0 : i32
    %c0_i32_0 = arith.constant 0 : i32
    return %arg0, %c0_i32 : i32, i32
  }
  func.func @transform_3(%arg0: i32) -> (i32, i32) {
    %c0_i32 = arith.constant 0 : i32
    %c0_i32_0 = arith.constant 0 : i32
    %c0_i32_1 = arith.constant 0 : i32
    return %c0_i32, %c0_i32_0 : i32, i32
  }
  func.func @transform_4(%arg0: i32) -> (i32, i32) {
    %c0_i32 = arith.constant 0 : i32
    %c0_i32_0 = arith.constant 0 : i32
    %c0_i32_1 = arith.constant 0 : i32
    return %c0_i32, %c0_i32_0 : i32, i32
  }
  func.func @transform_5(%arg0: i32) -> (i32, i32) {
    %c0_i32 = arith.constant 0 : i32
    %c0_i32_0 = arith.constant 0 : i32
    return %arg0, %c0_i32 : i32, i32
  }
}

module attributes {stable_mosaic.version = 14 : i64} {
  func.func @_tc_first_body(%arg0: i32, %arg1: memref<1000x1xf32, #tpu.memory_space<vmem>>, %arg2: memref<1000x128xf32, #tpu.memory_space<vmem>>, %arg3: memref<128x128xf32, #tpu.memory_space<vmem>>, %arg4: memref<1000x128xf32, #tpu.memory_space<vmem>>) attributes {dimension_semantics = [#tpu.dimension_semantics<arbitrary>], iteration_bounds = array<i64: 10>, scalar_prefetch = 0 : i64, scratch_operands = 0 : i64, tpu.core_type = #tpu.core_type<tc>, window_params = [{transform_indices = @transform_0, window_bounds = array<i64: 1000, 1>}, {transform_indices = @transform_1, window_bounds = array<i64: 1000, 128>}, {pipeline_mode = #tpu.pipeline_mode<synchronous>, transform_indices = @transform_2, window_bounds = array<i64: 128, 128>}, {transform_indices = @transform_3, window_bounds = array<i64: 1000, 128>}]} {
    %get3A = arith.constant 0 : index
    %get3A_0 = arith.constant 0 : index
    %get3A_1 = vector.load %arg2[%get3A, %get3A_0] : memref<1000x128xf32, #tpu.memory_space<vmem>>, vector<1000x128xf32>
    %get3A_2 = arith.constant 0 : index
    %get3A_3 = arith.constant 0 : index
    %get3A_4 = vector.load %arg3[%get3A_2, %get3A_3] : memref<128x128xf32, #tpu.memory_space<vmem>>, vector<128x128xf32>
    %dot_general3A = arith.constant dense<0.000000e+00> : vector<1000x128xf32>
    %dot_general3A_5 = tpu.matmul %get3A_1, %get3A_4, %dot_general3A {dimension_numbers = #tpu.dot_dimension_numbers<[1], [0], [0], [1], [0, 0, 1, 1], [], []>, transpose_lhs_hint = false} : vector<1000x128xf32>, vector<128x128xf32>, vector<1000x128xf32> -> vector<1000x128xf32>
    %get3A_6 = arith.constant 0 : index
    %get3A_7 = arith.constant 0 : index
    %get3A_8 = vector.load %arg1[%get3A_6, %get3A_7] : memref<1000x1xf32, #tpu.memory_space<vmem>>, vector<1000x1xf32>
    %mul3A = vector.broadcast %get3A_8 : vector<1000x1xf32> to vector<1000x128xf32>
    %mul3A_9 = arith.mulf %dot_general3A_5, %mul3A : vector<1000x128xf32>
    %swap3A = arith.constant 0 : index
    %swap3A_10 = arith.constant 0 : index
    %swap3A_11 = vector.load %arg4[%swap3A, %swap3A_10] : memref<1000x128xf32, #tpu.memory_space<vmem>>, vector<1000x128xf32>
    tpu.vector_store %arg4[%swap3A, %swap3A_10], %mul3A_9 {strides = array<i32>} : memref<1000x128xf32, #tpu.memory_space<vmem>>, vector<1000x128xf32>,
    return
  }
  func.func @transform_0(%arg0: i32) -> (i32, i32) {
    %c0_i32 = arith.constant 0 : i32
    %c0_i32_0 = arith.constant 0 : i32
    return %arg0, %c0_i32 : i32, i32
  }
  func.func @transform_1(%arg0: i32) -> (i32, i32) {
    %c0_i32 = arith.constant 0 : i32
    %c0_i32_0 = arith.constant 0 : i32
    return %arg0, %c0_i32 : i32, i32
  }
  func.func @transform_2(%arg0: i32) -> (i32, i32) {
    %c0_i32 = arith.constant 0 : i32
    %c0_i32_0 = arith.constant 0 : i32
    %c0_i32_1 = arith.constant 0 : i32
    return %c0_i32, %c0_i32_0 : i32, i32
  }
  func.func @transform_3(%arg0: i32) -> (i32, i32) {
    %c0_i32 = arith.constant 0 : i32
    %c0_i32_0 = arith.constant 0 : i32
    return %arg0, %c0_i32 : i32, i32
  }
}

module attributes {stable_mosaic.version = 14 : i64} {
  func.func @_tc_final_body(%arg0: i32, %arg1: memref<1000x1xf32, #tpu.memory_space<vmem>>, %arg2: memref<2x1000x128xf32, #tpu.memory_space<vmem>>, %arg3: memref<1000x128xf32, #tpu.memory_space<vmem>>, %arg4: memref<1x128xf32, #tpu.memory_space<vmem>>, %arg5: memref<1000x128xf32, #tpu.memory_space<vmem>>) attributes {dimension_semantics = [#tpu.dimension_semantics<arbitrary>], iteration_bounds = array<i64: 10>, scalar_prefetch = 0 : i64, scratch_operands = 0 : i64, tpu.core_type = #tpu.core_type<tc>, window_params = [{transform_indices = @transform_0, window_bounds = array<i64: 1000, 1>}, {transform_indices = @transform_1, window_bounds = array<i64: 2, 1000, 128>}, {transform_indices = @transform_2, window_bounds = array<i64: 1000, 128>}, {pipeline_mode = #tpu.pipeline_mode<synchronous>, transform_indices = @transform_3, window_bounds = array<i64: 1, 128>}, {transform_indices = @transform_4, window_bounds = array<i64: 1000, 128>}]} {
    %get3A = arith.constant 0 : index
    %get3A_0 = arith.constant 0 : index
    %get3A_1 = vector.load %arg1[%get3A, %get3A_0] : memref<1000x1xf32, #tpu.memory_space<vmem>>, vector<1000x1xf32>
    %get3A_2 = arith.constant 0 : index
    %get3A_3 = arith.constant 0 : index
    %get3A_4 = arith.constant 0 : index
    %get3A_5 = vector.load %arg2[%get3A_2, %get3A_3, %get3A_4] : memref<2x1000x128xf32, #tpu.memory_space<vmem>>, vector<1x1000x128xf32>
    %get3A_6 = vector.shape_cast %get3A_5 : vector<1x1000x128xf32> to vector<1000x128xf32>
    %get3A_7 = arith.constant 1 : index
    %get3A_8 = arith.constant 0 : index
    %get3A_9 = arith.constant 0 : index
    %get3A_10 = vector.load %arg2[%get3A_7, %get3A_8, %get3A_9] : memref<2x1000x128xf32, #tpu.memory_space<vmem>>, vector<1x1000x128xf32>
    %get3A_11 = vector.shape_cast %get3A_10 : vector<1x1000x128xf32> to vector<1000x128xf32>
    %add3A = arith.addf %get3A_6, %get3A_11 : vector<1000x128xf32>
    %get3A_12 = arith.constant 0 : index
    %get3A_13 = arith.constant 0 : index
    %get3A_14 = vector.load %arg3[%get3A_12, %get3A_13] : memref<1000x128xf32, #tpu.memory_space<vmem>>, vector<1000x128xf32>
    %add3A_15 = arith.addf %add3A, %get3A_14 : vector<1000x128xf32>
    %mul3A = vector.broadcast %get3A_1 : vector<1000x1xf32> to vector<1000x128xf32>
    %mul3A_16 = arith.mulf %mul3A, %add3A_15 : vector<1000x128xf32>
    %get3A_17 = arith.constant 0 : index
    %get3A_18 = arith.constant 0 : index
    %get3A_19 = vector.load %arg4[%get3A_17, %get3A_18] : memref<1x128xf32, #tpu.memory_space<vmem>>, vector<1x128xf32>
    %add3A_20 = vector.broadcast %get3A_19 : vector<1x128xf32> to vector<1000x128xf32>
    %add3A_21 = arith.addf %mul3A_16, %add3A_20 : vector<1000x128xf32>
    %swap3A = arith.constant 0 : index
    %swap3A_22 = arith.constant 0 : index
    %swap3A_23 = vector.load %arg5[%swap3A, %swap3A_22] : memref<1000x128xf32, #tpu.memory_space<vmem>>, vector<1000x128xf32>
    tpu.vector_store %arg5[%swap3A, %swap3A_22], %add3A_21 {strides = array<i32>} : memref<1000x128xf32, #tpu.memory_space<vmem>>, vector<1000x128xf32>,
    return
  }
  func.func @transform_0(%arg0: i32) -> (i32, i32) {
    %c0_i32 = arith.constant 0 : i32
    %c0_i32_0 = arith.constant 0 : i32
    return %arg0, %c0_i32 : i32, i32
  }
  func.func @transform_1(%arg0: i32) -> (i32, i32, i32) {
    %c0_i32 = arith.constant 0 : i32
    %c0_i32_0 = arith.constant 0 : i32
    %c0_i32_1 = arith.constant 0 : i32
    return %c0_i32, %arg0, %c0_i32_0 : i32, i32, i32
  }
  func.func @transform_2(%arg0: i32) -> (i32, i32) {
    %c0_i32 = arith.constant 0 : i32
    %c0_i32_0 = arith.constant 0 : i32
    return %arg0, %c0_i32 : i32, i32
  }
  func.func @transform_3(%arg0: i32) -> (i32, i32) {
    %c0_i32 = arith.constant 0 : i32
    %c0_i32_0 = arith.constant 0 : i32
    %c0_i32_1 = arith.constant 0 : i32
    return %c0_i32, %c0_i32_0 : i32, i32
  }
  func.func @transform_4(%arg0: i32) -> (i32, i32) {
    %c0_i32 = arith.constant 0 : i32
    %c0_i32_0 = arith.constant 0 : i32
    return %arg0, %c0_i32 : i32, i32
  }
}

</mosaic_0001>

<sc_bundles>
// kernel: kernel.12.cloned.1.call-start
scs
__scs_entry_jumppad:
0x0: {  	(pc) =	sbr.rel $0x88, $3  }
0x1: {  	(tag) =	ssettag $0x0;
	lr =	simm.s32 $0x1  }
0x2: {  	[smem:$0x3F9B] =	sst lr;
	_ =	strace $0xD0000000  }
0x3: {  	_ = 	snop  }
0x4: {  	_ = 	snop  }
0x5: {  	_ = 	snop  }
0x6: {  	_ = 	snop  }
0x7: {  	_ = 	snop  }
__scs_overlays_trampoline_lowered:
0x8: {  	[smem:$0x3FAA] =	sst s0  }
0x9: {  	[smem:$0x3FAB] =	sst s1  }
0xa: {  	[smem:$0x3FAC] =	sst s2  }
0xb: {  	[smem:$0x3FAD] =	sst s3  }
0xc: {  	[smem:$0x3FAE] =	sst s4  }
0xd: {  	[smem:$0x3FAF] =	sst s5  }
0xe: {  	[smem:$0x3FB0] =	sst s6  }
0xf: {  	[smem:$0x3FB1] =	sst s7  }
0x10: {  	[smem:$0x3FB2] =	sst s8  }
0x11: {  	[smem:$0x3FB3] =	sst s9;
	s0 =	simm.s32 @!p0 $0x0  }
0x12: {  	s1 =	sld [smem:$0x3F99];
	s0 =	simm.s32 @p0 $0x1  }
0x13: {  	[smem:$0x3FB4] =	sst s0;
	s0 =	simm.s32 @!p1 $0x0  }
0x14: {  	s2 =	sld [smem:$0x3F98];
	s0 =	simm.s32 @p1 $0x1  }
0x15: {  	[smem:$0x3FB5] =	sst s0;
	s0 =	simm.s32 @!p2 $0x0  }
0x16: {  	s3 =	sld [smem:$0x3FDB];
	s0 =	simm.s32 @p2 $0x1  }
0x17: {  	s4 =	simm.s32 $0x1BF5;
	[smem:$0x3FB7] =	sst s0  }
0x18: {  	s0 =	sld [smem:$0x3F9A];
	_ =	swait.ge [sflag:s4], $0x0  }
0x19: {  	s7 =	sld [smem:$0x3F9B]  }
0x1a: {  	s8 =	sadd.s32 $0xFFFFE003, lr  }
0x1b: {  	s9 =	sadd.s32 $0xFFFFFEF7, lr;
	s5 =	simm.s32 $0xFFFFFFFF;
	p2 =	slt.u32 s8, $0xFFFFF086  }
0x1c: {  	p1 =	slt.u32 s9, $0xF7A;
	s5 =	simm.s32 @!p2 $0x0  }
0x1d: {  	s5 =	simm.s32 @p1 $0x1;
	p0 =	seq.s32 s7, s2  }
0x1e: {  	s7 =	smul.u32 @!p0 $0xF7A, s2;
	p2 =	seq.s32 @!p0 s5, $0x0  }
0x1f: {  	s9 =	smul.u32 $0xF7A, s1;
	s8 =	simm.s32 @!p0 $0x1BF5;
	p2 =	por !p2, p0  }
0x20: {  	[sflag:s8] =	ssyncset.s32 @!p0 $0xFFFFF086;
	s6 =	sadd.s32 @!p0 s3, s7;
	s7 =	simm.s32 @!p0 $0x108  }
0x21: {  	s3 =	sadd.s32 s3, s9;
	s6 =	sadd.s32 @!p0 $0x88, s6;
	s7 =	simm.s32 @p2 $0x1082  }
0x22: {  	[simem:s7], [sflag:s8] =	dma.local @!p0 [hbm:s6], $0xF7A  }
0x23: {  	s9 =	sor.u32 $0xD0000000, s2;
	s6 =	simm.s32 $0x108;
	_ =	swait.ge @!p0 [sflag:s8], $0x0  }
0x24: {  	s3 =	sadd.s32 $0x88, s3;
	s6 =	simm.s32 @!p1 $0x1082;
	[sflag:s4] =	ssyncset.s32 $0xFFFFF086  }
0x25: {  	[simem:s6], [sflag:s4] =	dma.local [hbm:s3], $0xF7A  }
0x26: {  	[smem:$0x3F9B] =	sst s1;
	(tag) =	ssettag s2;
	_ =	strace s9  }
0x27: {  	s1 =	sld [smem:$0x3FAB]  }
0x28: {  	s2 =	sld [smem:$0x3FAC]  }
0x29: {  	s4 =	sld [smem:$0x3FAE]  }
0x2a: {  	p0 =	seq.s32 s5, $0x0;
	s5 =	sld [smem:$0x3FAF]  }
0x2b: {  	s6 =	sld [smem:$0x3FB0]  }
0x2c: {  	s7 =	sld [smem:$0x3FB1]  }
0x2d: {  	s3 =	simm.s32 $0x108;
	s8 =	sld [smem:$0x3FB2]  }
0x2e: {  	s3 =	simm.s32 @!p0 $0x1082;
	s9 =	sld [smem:$0x3FB3]  }
0x2f: {  	lr =	sadd.s32 s0, s3;
	s0 =	sld [smem:$0x3FAA]  }
0x30: {  	s3 =	sld [smem:$0x3FAD]  }
0x31: {  	[smem:$0x3FB6] =	sst s10  }
0x32: {  	s10 =	sld [smem:$0x3FB4];
	_ =	sdelay $0x3  }
0x33: {  	p0 =	seq.s32 s10, $0x1;
	s10 =	sld [smem:$0x3FB6];
	_ =	sdelay $0x3  }
0x34: {  	[smem:$0x3FB6] =	sst s10  }
0x35: {  	s10 =	sld [smem:$0x3FB5];
	_ =	sdelay $0x3  }
0x36: {  	p1 =	seq.s32 s10, $0x1;
	s10 =	sld [smem:$0x3FB6];
	_ =	sdelay $0x3  }
0x37: {  	[smem:$0x3FB6] =	sst s10  }
0x38: {  	s10 =	sld [smem:$0x3FB7]  }
0x39: {  	_ = 	snop;
	(pc) =	sbr.ind lr, $3  }
0x3a: {  	_ = 	snop  }
0x3b: {  	_ = 	snop  }
0x3c: {  	p2 =	seq.s32 s10, $0x1;
	s10 =	sld [smem:$0x3FB6]  }
0x3d: {  	_ =	shalt  }
0x3e: {  	_ =	shalt  }
0x3f: {  	_ =	shalt  }
0x40: {  	_ =	shalt  }
0x41: {  	_ =	shalt  }
0x42: {  	_ =	shalt  }
0x43: {  	_ =	shalt  }
0x44: {  	_ =	shalt  }
0x45: {  	_ =	shalt  }
0x46: {  	_ =	shalt  }
0x47: {  	_ =	shalt  }
0x48: {  	_ =	shalt  }
0x49: {  	_ =	shalt  }
0x4a: {  	_ =	shalt  }
0x4b: {  	_ =	shalt  }
0x4c: {  	_ =	shalt  }
0x4d: {  	_ =	shalt  }
0x4e: {  	_ =	shalt  }
0x4f: {  	_ =	shalt  }
0x50: {  	_ =	shalt  }
0x51: {  	_ =	shalt  }
0x52: {  	_ =	shalt  }
0x53: {  	_ =	shalt  }
0x54: {  	_ =	shalt  }
0x55: {  	_ =	shalt  }
0x56: {  	_ =	shalt  }
0x57: {  	_ =	shalt  }
0x58: {  	_ =	shalt  }
0x59: {  	_ =	shalt  }
0x5a: {  	_ =	shalt  }
0x5b: {  	_ =	shalt  }
0x5c: {  	_ =	shalt  }
0x5d: {  	_ =	shalt  }
0x5e: {  	_ =	shalt  }
0x5f: {  	_ =	shalt  }
0x60: {  	_ =	shalt  }
0x61: {  	_ =	shalt  }
0x62: {  	_ =	shalt  }
0x63: {  	_ =	shalt  }
0x64: {  	_ =	shalt  }
0x65: {  	_ =	shalt  }
0x66: {  	_ =	shalt  }
0x67: {  	_ =	shalt  }
0x68: {  	_ =	shalt  }
0x69: {  	_ =	shalt  }
0x6a: {  	_ =	shalt  }
0x6b: {  	_ =	shalt  }
0x6c: {  	_ =	shalt  }
0x6d: {  	_ =	shalt  }
0x6e: {  	_ =	shalt  }
0x6f: {  	_ =	shalt  }
0x70: {  	_ =	shalt  }
0x71: {  	_ =	shalt  }
0x72: {  	_ =	shalt  }
0x73: {  	_ =	shalt  }
0x74: {  	_ =	shalt  }
0x75: {  	_ =	shalt  }
0x76: {  	_ =	shalt  }
0x77: {  	_ =	shalt  }
0x78: {  	_ =	shalt  }
0x79: {  	_ =	shalt  }
0x7a: {  	_ =	shalt  }
0x7b: {  	_ =	shalt  }
0x7c: {  	_ =	shalt  }
0x7d: {  	_ =	shalt  }
0x7e: {  	_ =	shalt  }
0x7f: {  	_ =	shalt  }
0x80: {  	_ =	shalt  }
0x81: {  	_ =	shalt  }
0x82: {  	_ =	shalt  }
0x83: {  	_ =	shalt  }
0x84: {  	_ =	shalt  }
0x85: {  	_ =	shalt  }
0x86: {  	_ =	shalt  }
0x87: {  	_ =	shalt  }
.Lfunc_end0:
.L_simem_size_0:
called_computation.1_lowered:
.L_overlay_start_0:
0x88: {  	s2 =	sld [smem:$0x3FD9]  }
0x89: {  	s3 =	sld [smem:$0x3FFE];
	_ =	sdelay $0x1  }
0x8a: {  	s1 =	srdreg.scid  }
0x8b: {  	s0 =	sand.u32 $0x1, s1  }
0x8c: {  	s17 =	sshll.u32 s0, $0xA;
	s2 =	sadd.s32 s3, s2  }
0x8d: {  	s2 =	sadd.s32 s2, s17  }
0x8e: {  	[smem:$0x3FC2] =	sst s2  }
0x8f: {  	_ = 	snop  }
0x90: {  	s2 =	sld [smem:$0x3FD0];
	(tm) =	ssettm $0x1  }
0x91: {  	s18 =	sld [smem:$0x3FFB];
	_ =	sdelay $0x3  }
0x92: {  	_ =	strace s18  }
0x93: {  	s3 =	sld [smem:$0x3FFC];
	_ =	sdelay $0x3  }
0x94: {  	_ =	strace s3  }
0x95: {  	s3 =	sld [smem:$0x3FFD];
	_ =	sdelay $0x3  }
0x96: {  	_ =	strace s3  }
0x97: {  	_ =	strace $0x8FFFFFFF  }
0x98: {  	s19 =	sld [smem:$0x3FDB];
	_ =	sdelay $0x1  }
0x99: {  	s4 =	simm.s32 $_scs_section_size  }
0x9a: {  	s5 =	simm.s32 $_size__tile_overlayer_lowered;
	s6 =	simm.s32 $_tile_overlayer_lowered  }
0x9b: {  	s22 =	simm.s32 $0x1BFF;
	s21 =	sshll.u32 s6, $0x1;
	s3 =	sadd.s32 s4, s19  }
0x9c: {  	s7 =	simm.s32 $0x0;
	s20 =	sshll.u32 s5, $0x1;
	s5 =	sadd.s32 s21, s3  }
0x9d: {  	[timem:s7], [sflag:s22] =	dma.local [hbm:s5], s20  }
0x9e: {  	_ =	swait.ge [sflag:s22], s20  }
0x9f: {  	s4 =	ssub.s32 $0x0, s20;
	[sflag:s22] =	ssyncset.done $0x0  }
0xa0: {  	[sflag:s22] =	ssyncadd.s32 s4;
	_ =	sdelay $0x1  }
0xa1: {  	s23 =	simm.s32 $0x1B8B  }
0xa2: {  	_ =	swait.ge [sflag:s23], $0x1  }
0xa3: {  	[sflag:s23] =	ssyncset.done $0x0  }
0xa4: {  	s25 =	simm.s32 $0x1B8E;
	s24 =	sld [smem:$0x3FFE];
	[sflag:s23] =	ssyncadd.s32 $0xFFFFFFFF  }
0xa5: {  	s26 =	simm.s32 $execute0_lowered;
	[smem:$0x3FD2] =	sst s25  }
0xa6: {  	s5 =	sshll.u32 s26, $0x1;
	_ =	strace $0x80000049;
	[dreg:$0x1] =	wrdreg $0xFFFFFFFF  }
0xa7: {  	s28 =	simm.s32 $_size_execute0_lowered;
	s3 =	sadd.s32 s3, s5;
	[dreg:$0x0] =	wrdreg $0x0  }
0xa8: {  	s5 =	sshll.u32 s28, $0x1;
	[dreg:$0x2] =	wrdreg s3  }
0xa9: {  	[dreg:$0x3] =	wrdreg s5  }
0xaa: {  	[dreg:$0x4] =	wrdreg $0xC0  }
0xab: {  	_ =	task [dreg:s7], $0x5FFFF  }
0xac: {  	[dreg:$0x1] =	wrdreg $0xFFFFFFFF  }
0xad: {  	[dreg:$0x0] =	wrdreg $0x60  }
0xae: {  	[dreg:$0x2] =	wrdreg s2  }
0xaf: {  	[dreg:$0x3] =	wrdreg s24  }
0xb0: {  	[dreg:$0x4] =	wrdreg $0x0  }
0xb1: {  	[dreg:$0x5] =	wrdreg $0x9  }
0xb2: {  	_ =	task.clear_ibuf [dreg:s7], $0x6FFFF;
	_ =	strace $0x90000049  }
0xb3: {  	s29 =	simm.s32 $0x9;
	_ =	strace $0x8000004B  }
0xb4: {  	_ =	swait.ge [sflag:s29], $0x1  }
0xb5: {  	[sflag:s29] =	ssyncadd.s32 $0xFFFFFFFF  }
0xb6: {  	_ =	strace $0x9000004B  }
0xb7: {  	_ =	sfence  }
0xb8: {  	s30 =	sld [smem:$0x0];
	_ =	sdelay $0x2  }
0xb9: {  	s31 =	sshll.u32 s1, $0xD;
	s1 =	sshrl.u32 s1, $0x2  }
0xba: {  	s3 =	sand.u32 $0x4000, s31;
	s1 =	sadd.s32 s1, s30  }
0xbb: {  	s0 =	sor.u32 s3, s0;
	s1 =	sshll.u32 s1, $0x11  }
0xbc: {  	s0 =	sor.u32 s1, s0  }
0xbd: {  	s0 =	sadd.s32 $0x8F2B, s0  }
0xbe: {  	[sflag:s0] =	ssyncadd.remote.s32 $0x1  }
0xbf: {  	_ =	sfence.sel $0xFFFF  }
0xc0: {  	[dreg:$0x0] =	wrdreg $0xFFFFFFFF;
	(pc) =	sbr.abs _section_cstart, $3  }
0xc1: {  	[dreg:$0x1] =	wrdreg $0xFFFFFFFF  }
0xc2: {  	_ =	task.clear_ibuf [dreg:s7], $0x2FFFF;
	_ =	strace $0x9FFFFFFF  }
0xc3: {  	(tm) =	ssettm $0x7FFFFFFF  }
tec
execute0_lowered:
.L_overlay_start_1:
0x0: {  	(tag) =	ssettag $0x1  }
0x1: {  	s0 =	rddreg [dreg:$0x0]  }
0x2: {  	s1 =	srdreg.scid;
	s6 =	rddreg [dreg:$0x1]  }
0x3: {  	s7 =	stileid.u32;
	s2 =	rddreg [dreg:$0x2];
	s16 =	simm.s32 $0x7  }
0x4: {  	s19 =	simm.s32 $0x16800;
	s20 =	simm.s32 $0x1;
	s28 =	simm.s32 $0x1A900  }
0x5: {  	s29 =	simm.s32 $0x3;
	s30 =	simm.s32 $0x5;
	s12 =	smul.u32 $0x50000, s7  }
0x6: {  	s31 =	simm.s32 $0x4;
	s1 =	sand.u32 $0x1, s1;
	s23 =	smul.u32 $0x13800, s7  }
0x7: {  	s5 =	sadd.s32 $0xC800, s6;
	s11 =	sadd.s32 $0x16800, s6;
	s24 =	smul.u32 $0x4E000, s7  }
0x8: {  	s26 =	sshll.u32 s7, $0x6;
	p0 =	sne.s32 s7, $0x0;
	s3 =	sshll.u32 s1, $0x4  }
0x9: {  	s10 =	ssub.s32 $0x2, s1;
	s1 =	smul.u32 $0x138800, s1;
	s17 =	sor.u32 $0x1C07, s26  }
0xa: {  	s26 =	simm.s32 $0x2;
	s4 =	sor.u32 s7, s3;
	s3 =	simm.s32 $0x0  }
0xb: {  	s21 =	sshrl.u32 s10, $0x1;
	s22 =	sshrl.u32 s12, $0x2;
	s12 =	sshrl.u32 s24, $0x2  }
0xc: {  	s4 =	smul.u32 $0x2800, s4;
	[smem:$0x7FF] =	sst s3;
	s10 =	ssub.s32 s10, s21  }
0xd: {  	s25 =	sadd.s32 s12, s2;
	s21 =	simm.s32 $0x80;
	_ =	strace $0x8000004A  }
0xe: {  	[dreg:$0x4] =	wrdreg s11;
	s11 =	sadd.s32 s23, s1;
	s1 =	sshrl.u32 s1, $0x3  }
0xf: {  	s10 =	smax.u32 s10, $0x1;
	s23 =	simm.s32 $0x16880;
	s8 =	sshrl.u32 s4, $0x3  }
0x10: {  	s24 =	sshrl.u32 s25, $0x3;
	s11 =	sshrl.u32 s11, $0x3;
	s9 =	sadd.s32 s8, s6  }
0x11: {  	[dreg:$0x9] =	wrdreg s10;
	s8 =	sadd.s32 s5, s8;
	s9 =	sadd.s32 $0x2800, s9  }
0x12: {  	s6 =	sadd.s32 $0x19000, s6;
	s13 =	sadd.s32 $0x10, s8;
	[dreg:$0x5] =	wrdreg s9  }
0x13: {  	s1 =	sadd.s32 s6, s1;
	s6 =	sadd.s32 s6, s11;
	[dreg:$0x6] =	wrdreg s13  }
0x14: {  	s14 =	sadd.s32 $0x30, s8;
	s9 =	sadd.s32 s22, s2;
	[dreg:$0x7] =	wrdreg s6  }
0x15: {  	s1 =	sadd.s32 $0x27000, s1;
	s13 =	sadd.s32 $0x20, s8;
	s22 =	simm.s32 $0x16900  }
0x16: {  	s6 =	simm.s32 $0x0;
	[dreg:$0x8] =	wrdreg s1;
	s1 =	sadd.s32 $0x138000, s2  }
0x17: {  	s18 =	sshrl.u32 s9, $0x3;
	s25 =	sshrl.u32 @!p0 s1, $0x3;
	s1 =	simm.s32 $0x6  }
.LBB2_1:
0x18: {  	s7 =	rddreg [dreg:$0x5];
	s9 =	simm.s32 $0x14000  }
0x19: {  	[tilespmem:s9], [sflag:$0x7] =	stream.linear.gather [hbm4b:s7+s3], $0x2800, $0x38;
	[tilespmem:$0x1E900] =	vst v63  }
0x1a: {  	_ =	swait.ge [sflag:s16], $0x2800  }
0x1b: {  	[sflag:s16] =	ssyncset.done $0x0  }
0x1c: {  	s15 =	rddreg [dreg:$0x4];
	[sflag:s16] =	ssyncadd.s32 $0xFFFFD800  }
0x1d: {  	[spmem:s18], [sflag:s17] =	dma.local [hbm:s15], $0x2800  }
0x1e: {  	_ =	swait.ge [sflag:s16], $0x2800  }
0x1f: {  	[sflag:s16] =	ssyncset.done $0x0  }
0x20: {  	[sflag:s16] =	ssyncadd.s32 $0xFFFFD800  }
0x21: {  	[bflag:$0x0] =	sbarrier.arrive $0xFFFF  }
0x22: {  	[tilespmem:s19], [sflag:$0x1] =	stream.linear.gather [hbm4b:s8+s3], $0x80, $0x38;
	[tilespmem:$0x1E900] =	vst v63  }
0x23: {  	_ =	swait.ge [sflag:s20], $0x80  }
0x24: {  	[sflag:s20] =	ssyncset.done $0x0  }
0x25: {  	[sflag:s20] =	ssyncadd.s32 $0xFFFFFF80  }
0x26: {  	[tilespmem:s22], [sflag:$0x3] =	stream.indirect.gather [hbm4b:s0+s21], $0x80, s19, s21, $0xb8;
	[tilespmem:$0x1E900] =	vst v63  }
0x27: {  	s10 =	rddreg [dreg:$0x6]  }
0x28: {  	[tilespmem:s23], [sflag:$0x2] =	stream.linear.gather [hbm4b:s10+s3], $0x80, $0x38;
	[tilespmem:$0x1E900] =	vst v63  }
0x29: {  	_ =	swait.ge [sflag:s26], $0x80  }
0x2a: {  	[sflag:s26] =	ssyncset.done $0x0  }
0x2b: {  	[sflag:s26] =	ssyncadd.s32 $0xFFFFFF80  }
0x2c: {  	[tilespmem:s28], [sflag:$0x4] =	stream.indirect.gather [hbm4b:s0+s21], $0x80, s23, s21, $0xb8;
	[tilespmem:$0x1E900] =	vst v63  }
0x2d: {  	_ =	swait.ge [sflag:s29], $0x4000  }
0x2e: {  	[sflag:s29] =	ssyncset.done $0x0  }
0x2f: {  	[sflag:s29] =	ssyncadd.s32 $0xFFFFC000  }
0x30: {  	[tilespmem:s19], [sflag:$0x1] =	stream.linear.gather [hbm4b:s13+s3], $0x80, $0x38;
	[tilespmem:$0x1E900] =	vst v63  }
0x31: {  	_ = 	snop  }
0x32: {  	[spmem:s2] =	stream.indirect.scatter.add.f32 [tilespmem:s22], [sflag:$0x5], $0x80, s9, s21, $0xb8;
	[tilespmem:$0x1E900] =	vst v63  }
0x33: {  	_ =	swait.ge [sflag:s30], $0x4000  }
0x34: {  	[sflag:s30] =	ssyncset.done $0x0  }
0x35: {  	[sflag:s30] =	ssyncadd.s32 $0xFFFFC000  }
0x36: {  	_ =	swait.ge [sflag:s20], $0x80  }
0x37: {  	[sflag:s20] =	ssyncset.done $0x0  }
0x38: {  	[sflag:s20] =	ssyncadd.s32 $0xFFFFFF80  }
0x39: {  	[tilespmem:s22], [sflag:$0x3] =	stream.indirect.gather [hbm4b:s0+s21], $0x80, s19, s21, $0xb8;
	[tilespmem:$0x1E900] =	vst v63  }
0x3a: {  	_ =	swait.ge [sflag:s31], $0x4000  }
0x3b: {  	[sflag:s31] =	ssyncset.done $0x0  }
0x3c: {  	[sflag:s31] =	ssyncadd.s32 $0xFFFFC000  }
0x3d: {  	[tilespmem:s23], [sflag:$0x2] =	stream.linear.gather [hbm4b:s14+s3], $0x80, $0x38;
	[tilespmem:$0x1E900] =	vst v63  }
0x3e: {  	s11 =	simm.s32 $0x14080  }
0x3f: {  	[spmem:s2] =	stream.indirect.scatter.add.f32 [tilespmem:s28], [sflag:$0x6], $0x80, s11, s21, $0xb8;
	[tilespmem:$0x1E900] =	vst v63  }
0x40: {  	_ =	swait.ge [sflag:s1], $0x4000  }
0x41: {  	[sflag:s1] =	ssyncset.done $0x0  }
0x42: {  	[sflag:s1] =	ssyncadd.s32 $0xFFFFC000  }
0x43: {  	s12 =	simm.s32 $0x200;
	_ =	swait.ge [sflag:s26], $0x80  }
0x44: {  	s15 =	sand.u32 $0x7C00, s12;
	[sflag:s26] =	ssyncset.done $0x0  }
0x45: {  	s7 =	sand.u32 $0x300, s12;
	s9 =	sadd.s32 s4, s15;
	[sflag:s26] =	ssyncadd.s32 $0xFFFFFF80  }
0x46: {  	[tilespmem:s28], [sflag:$0x4] =	stream.indirect.gather [hbm4b:s0+s21], $0x80, s23, s21, $0xb8;
	[tilespmem:$0x1E900] =	vst v63  }
0x47: {  	s7 =	sor.u32 s7, s9;
	_ =	swait.ge [sflag:s29], $0x4000  }
0x48: {  	s7 =	sshrl.u32 s7, $0x3;
	[sflag:s29] =	ssyncset.done $0x0  }
0x49: {  	s7 =	sadd.s32 s5, s7;
	[sflag:s29] =	ssyncadd.s32 $0xFFFFC000  }
0x4a: {  	[tilespmem:s19], [sflag:$0x1] =	stream.linear.gather [hbm4b:s7+s3], $0x80, $0x38;
	[tilespmem:$0x1E900] =	vst v63  }
0x4b: {  	s10 =	simm.s32 $0x14100  }
0x4c: {  	[spmem:s2] =	stream.indirect.scatter.add.f32 [tilespmem:s22], [sflag:$0x5], $0x80, s10, s21, $0xb8;
	[tilespmem:$0x1E900] =	vst v63  }
0x4d: {  	_ =	swait.ge [sflag:s30], $0x4000  }
0x4e: {  	[sflag:s30] =	ssyncset.done $0x0  }
0x4f: {  	[sflag:s30] =	ssyncadd.s32 $0xFFFFC000  }
0x50: {  	s11 =	simm.s32 $0x280;
	_ =	swait.ge [sflag:s20], $0x80  }
0x51: {  	s12 =	sand.u32 $0x7C00, s11;
	[sflag:s20] =	ssyncset.done $0x0  }
0x52: {  	s9 =	sadd.s32 s4, s12;
	s7 =	sand.u32 $0x380, s11;
	[sflag:s20] =	ssyncadd.s32 $0xFFFFFF80  }
0x53: {  	[tilespmem:s22], [sflag:$0x3] =	stream.indirect.gather [hbm4b:s0+s21], $0x80, s19, s21, $0xb8;
	[tilespmem:$0x1E900] =	vst v63  }
0x54: {  	s7 =	sor.u32 s7, s9;
	_ =	swait.ge [sflag:s31], $0x4000  }
0x55: {  	s7 =	sshrl.u32 s7, $0x3;
	[sflag:s31] =	ssyncset.done $0x0  }
0x56: {  	s7 =	sadd.s32 s5, s7;
	[sflag:s31] =	ssyncadd.s32 $0xFFFFC000  }
0x57: {  	[tilespmem:s23], [sflag:$0x2] =	stream.linear.gather [hbm4b:s7+s3], $0x80, $0x38;
	[tilespmem:$0x1E900] =	vst v63  }
0x58: {  	s7 =	simm.s32 $0x14180  }
0x59: {  	[spmem:s2] =	stream.indirect.scatter.add.f32 [tilespmem:s28], [sflag:$0x6], $0x80, s7, s21, $0xb8;
	[tilespmem:$0x1E900] =	vst v63  }
0x5a: {  	s15 =	simm.s32 $0x300;
	_ =	swait.ge [sflag:s1], $0x4000  }
0x5b: {  	s10 =	sand.u32 $0x7C00, s15;
	[sflag:s1] =	ssyncset.done $0x0  }
0x5c: {  	s11 =	sand.u32 $0x300, s15;
	s10 =	sadd.s32 s4, s10;
	[sflag:s1] =	ssyncadd.s32 $0xFFFFC000  }
0x5d: {  	s9 =	simm.s32 $0x380;
	s11 =	sor.u32 s11, s10;
	_ =	swait.ge [sflag:s26], $0x80  }
0x5e: {  	s10 =	simm.s32 $0x480;
	s11 =	sshrl.u32 s11, $0x3;
	[sflag:s26] =	ssyncset.done $0x0  }
.LBB2_2:
0x5f: {  	[sflag:s26] =	ssyncadd.s32 $0xFFFFFF80  }
0x60: {  	s7 =	sadd.s32 $0x100, s7;
	s12 =	smov.u32 s10;
	s15 =	sadd.s32 $0x100, s10  }
0x61: {  	[tilespmem:s28], [sflag:$0x4] =	stream.indirect.gather [hbm4b:s0+s21], $0x80, s23, s21, $0xb8;
	[tilespmem:$0x1E900] =	vst v63  }
0x62: {  	p1 =	sne.s32 s10, $0x2780;
	_ =	swait.ge [sflag:s29], $0x4000  }
0x63: {  	s10 =	sadd.s32 s5, s11;
	[sflag:s29] =	ssyncset.done $0x0  }
0x64: {  	[sflag:s29] =	ssyncadd.s32 $0xFFFFC000  }
0x65: {  	[tilespmem:s19], [sflag:$0x1] =	stream.linear.gather [hbm4b:s10+s3], $0x80, $0x38;
	[tilespmem:$0x1E900] =	vst v63  }
0x66: {  	s10 =	sadd.s32 $0xFFFFFF80, s7  }
0x67: {  	[spmem:s2] =	stream.indirect.scatter.add.f32 [tilespmem:s22], [sflag:$0x5], $0x80, s10, s21, $0xb8;
	[tilespmem:$0x1E900] =	vst v63  }
0x68: {  	_ =	swait.ge [sflag:s30], $0x4000  }
0x69: {  	[sflag:s30] =	ssyncset.done $0x0  }
0x6a: {  	[sflag:s30] =	ssyncadd.s32 $0xFFFFC000  }
0x6b: {  	_ =	swait.ge [sflag:s20], $0x80  }
0x6c: {  	s10 =	sand.u32 $0x7C00, s9;
	[sflag:s20] =	ssyncset.done $0x0  }
0x6d: {  	s9 =	sand.u32 $0x380, s9;
	s10 =	sadd.s32 s4, s10;
	[sflag:s20] =	ssyncadd.s32 $0xFFFFFF80  }
0x6e: {  	[tilespmem:s22], [sflag:$0x3] =	stream.indirect.gather [hbm4b:s0+s21], $0x80, s19, s21, $0xb8;
	[tilespmem:$0x1E900] =	vst v63  }
0x6f: {  	s10 =	sor.u32 s9, s10;
	s9 =	smov.u32 s12;
	_ =	swait.ge [sflag:s31], $0x4000  }
0x70: {  	s10 =	sshrl.u32 s10, $0x3;
	[sflag:s31] =	ssyncset.done $0x0  }
0x71: {  	s10 =	sadd.s32 s5, s10;
	[sflag:s31] =	ssyncadd.s32 $0xFFFFC000  }
0x72: {  	[tilespmem:s23], [sflag:$0x2] =	stream.linear.gather [hbm4b:s10+s3], $0x80, $0x38;
	[tilespmem:$0x1E900] =	vst v63  }
0x73: {  	_ = 	snop  }
0x74: {  	[spmem:s2] =	stream.indirect.scatter.add.f32 [tilespmem:s28], [sflag:$0x6], $0x80, s7, s21, $0xb8;
	[tilespmem:$0x1E900] =	vst v63  }
.Ltmp0:
0x75: {  	s10 =	sadd.s32 $0xFFFFFF80, s9;
	_ =	swait.ge [sflag:s1], $0x4000;
	(pc) =	sbr.rel @p1 .LBB2_2-.Ltmp0, $4  }
0x76: {  	s11 =	sand.u32 $0x7C00, s10;
	[sflag:s1] =	ssyncset.done $0x0  }
0x77: {  	s10 =	sand.u32 $0x300, s10;
	s11 =	sadd.s32 s4, s11;
	[sflag:s1] =	ssyncadd.s32 $0xFFFFC000  }
0x78: {  	s10 =	sor.u32 s10, s11;
	_ =	swait.ge [sflag:s26], $0x80  }
0x79: {  	s11 =	sshrl.u32 s10, $0x3;
	s10 =	smov.u32 s15;
	[sflag:s26] =	ssyncset.done $0x0  }
0x7a: {  	[sflag:s26] =	ssyncadd.s32 $0xFFFFFF80  }
0x7b: {  	[tilespmem:s28], [sflag:$0x4] =	stream.indirect.gather [hbm4b:s0+s21], $0x80, s23, s21, $0xb8;
	[tilespmem:$0x1E900] =	vst v63  }
0x7c: {  	_ =	swait.ge [sflag:s29], $0x4000  }
0x7d: {  	[sflag:s29] =	ssyncset.done $0x0  }
0x7e: {  	s7 =	sadd.s32 $0x100, s7;
	s10 =	sadd.s32 s5, s11;
	[sflag:s29] =	ssyncadd.s32 $0xFFFFC000  }
0x7f: {  	[tilespmem:s19], [sflag:$0x1] =	stream.linear.gather [hbm4b:s10+s3], $0x80, $0x38;
	[tilespmem:$0x1E900] =	vst v63  }
0x80: {  	s11 =	sadd.s32 $0xFFFFFF80, s7  }
0x81: {  	[spmem:s2] =	stream.indirect.scatter.add.f32 [tilespmem:s22], [sflag:$0x5], $0x80, s11, s21, $0xb8;
	[tilespmem:$0x1E900] =	vst v63  }
0x82: {  	_ =	swait.ge [sflag:s30], $0x4000  }
0x83: {  	[sflag:s30] =	ssyncset.done $0x0  }
0x84: {  	[sflag:s30] =	ssyncadd.s32 $0xFFFFC000  }
0x85: {  	_ =	swait.ge [sflag:s20], $0x80  }
0x86: {  	s12 =	sand.u32 $0x7C00, s9;
	[sflag:s20] =	ssyncset.done $0x0  }
0x87: {  	s15 =	sand.u32 $0x380, s9;
	s10 =	sadd.s32 s4, s12;
	[sflag:s20] =	ssyncadd.s32 $0xFFFFFF80  }
0x88: {  	[tilespmem:s22], [sflag:$0x3] =	stream.indirect.gather [hbm4b:s0+s21], $0x80, s19, s21, $0xb8;
	[tilespmem:$0x1E900] =	vst v63  }
0x89: {  	s9 =	sor.u32 s15, s10;
	_ =	swait.ge [sflag:s31], $0x4000  }
0x8a: {  	s9 =	sshrl.u32 s9, $0x3;
	[sflag:s31] =	ssyncset.done $0x0  }
0x8b: {  	s9 =	sadd.s32 s5, s9;
	[sflag:s31] =	ssyncadd.s32 $0xFFFFC000  }
0x8c: {  	[tilespmem:s23], [sflag:$0x2] =	stream.linear.gather [hbm4b:s9+s3], $0x80, $0x38;
	[tilespmem:$0x1E900] =	vst v63  }
0x8d: {  	_ = 	snop  }
0x8e: {  	[spmem:s2] =	stream.indirect.scatter.add.f32 [tilespmem:s28], [sflag:$0x6], $0x80, s7, s21, $0xb8;
	[tilespmem:$0x1E900] =	vst v63  }
0x8f: {  	_ =	swait.ge [sflag:s1], $0x4000  }
0x90: {  	[sflag:s1] =	ssyncset.done $0x0  }
0x91: {  	[sflag:s1] =	ssyncadd.s32 $0xFFFFC000  }
0x92: {  	_ =	swait.ge [sflag:s26], $0x80  }
0x93: {  	[sflag:s26] =	ssyncset.done $0x0  }
0x94: {  	[sflag:s26] =	ssyncadd.s32 $0xFFFFFF80  }
0x95: {  	[tilespmem:s28], [sflag:$0x4] =	stream.indirect.gather [hbm4b:s0+s21], $0x80, s23, s21, $0xb8;
	[tilespmem:$0x1E900] =	vst v63  }
0x96: {  	_ =	swait.ge [sflag:s29], $0x4000  }
0x97: {  	[sflag:s29] =	ssyncset.done $0x0  }
0x98: {  	s10 =	simm.s32 $0x16700;
	[sflag:s29] =	ssyncadd.s32 $0xFFFFC000  }
0x99: {  	[spmem:s2] =	stream.indirect.scatter.add.f32 [tilespmem:s22], [sflag:$0x5], $0x80, s10, s21, $0xb8;
	[tilespmem:$0x1E900] =	vst v63  }
0x9a: {  	_ =	swait.ge [sflag:s30], $0x4000  }
0x9b: {  	[sflag:s30] =	ssyncset.done $0x0  }
0x9c: {  	[sflag:s30] =	ssyncadd.s32 $0xFFFFC000  }
0x9d: {  	_ =	swait.ge [sflag:s31], $0x4000  }
0x9e: {  	[sflag:s31] =	ssyncset.done $0x0  }
0x9f: {  	s11 =	simm.s32 $0x16780;
	[sflag:s31] =	ssyncadd.s32 $0xFFFFC000  }
0xa0: {  	[spmem:s2] =	stream.indirect.scatter.add.f32 [tilespmem:s28], [sflag:$0x6], $0x80, s11, s21, $0xb8;
	[tilespmem:$0x1E900] =	vst v63  }
0xa1: {  	_ =	swait.ge [sflag:s1], $0x4000  }
0xa2: {  	[sflag:s1] =	ssyncset.done $0x0  }
0xa3: {  	[sflag:s1] =	ssyncadd.s32 $0xFFFFC000  }
0xa4: {  	[bflag:$0x0] =	sbarrier.arrive $0xFFFF  }
0xa5: {  	s12 =	rddreg [dreg:$0x7]  }
0xa6: {  	[hbm:s12], [sflag:s17] =	dma.local [spmem:s24], $0x2700  }
0xa7: {  	_ =	swait.ge [sflag:s16], $0x2700  }
0xa8: {  	[sflag:s16] =	ssyncset.done $0x0  }
0xa9: {  	s7 =	rddreg [dreg:$0x8];
	[sflag:s16] =	ssyncadd.s32 $0xFFFFD900  }
0xaa: {  	[hbm:s7], [sflag:s17] =	dma.local @!p0 [spmem:s25], $0x100  }
0xab: {  	s7 =	simm.s32 @!p0 $0x7  }
0xac: {  	_ =	swait.ge @!p0 [sflag:s7], $0x100  }
0xad: {  	s6 =	sadd.s32 $0x1, s6;
	s15 =	rddreg [dreg:$0x9]  }
0xae: {  	p1 =	sne.s32 s6, s15  }
.Ltmp1:
0xaf: {  	_ = 	snop;
	(pc) =	sbr.rel @p1 .LBB2_1-.Ltmp1, $3  }
0xb0: {  	_ =	sdelay $0x1  }
0xb1: {  	[sflag:s7] =	ssyncset.done @!p0 $0x0  }
0xb2: {  	[sflag:s7] =	ssyncadd.s32 @!p0 $0xFFFFFF00  }
0xb3: {  	_ =	sfence.sel $0x180000  }
0xb4: {  	[bflag:$0x0] =	sbarrier.arrive $0xFFFF  }
0xb5: {  	_ =	strace $0x9000004A  }
0xb6: {  	[bflag:$0x2] =	sbarrier.arrive $0xFFFF  }
0xb7: {  	s0 =	rddreg [dreg:$0x3]  }
0xb8: {  	s0 =	sadd.s32 @!p0 $0x100000, s0  }
0xb9: {  	[sflag:s0] =	ssyncadd.tile.s32 @!p0 $0x1;
	_ =	shalt  }
.Lfunc_end2:
_tile_overlayer_lowered:
.L_overlay_start_2:
0xba: {  	(tag) =	ssettag $0x2  }
0xbb: {  	s0 =	rddreg [dreg:$0x0];
	s2 =	stileid.u32  }
0xbc: {  	s1 =	rddreg [dreg:$0x1];
	p0 =	sne.s32 s2, $0x0  }
0xbd: {  	s3 =	rddreg [dreg:$0x2];
	[bflag:$0x3] =	sbarrier.arrive $0xFFFF;
	s2 =	simm.s32 @!p0 $0x1C07  }
0xbe: {  	[timem:s3], [sflag:s2] =	dma.local @!p0 [hbm:s0], s1  }
0xbf: {  	s0 =	simm.s32 @!p0 $0x7  }
0xc0: {  	_ =	swait.ge @!p0 [sflag:s0], s1  }
0xc1: {  	s1 =	ssub.s32 @!p0 $0x0, s1;
	[sflag:s0] =	ssyncset.done @!p0 $0x0  }
0xc2: {  	[sflag:s0] =	ssyncadd.s32 @!p0 s1  }
0xc3: {  	[bflag:$0x3] =	sbarrier.arrive $0xFFFF  }
0xc4: {  	_ =	shalt  }

// kernel: kernel.15.cloned.1.call-start
scs
__scs_entry_jumppad:
0x0: {  	(pc) =	sbr.rel $0x88, $3  }
0x1: {  	(tag) =	ssettag $0x0;
	lr =	simm.s32 $0x1  }
0x2: {  	[smem:$0x3F9B] =	sst lr;
	_ =	strace $0xD0000000  }
0x3: {  	_ = 	snop  }
0x4: {  	_ = 	snop  }
0x5: {  	_ = 	snop  }
0x6: {  	_ = 	snop  }
0x7: {  	_ = 	snop  }
__scs_overlays_trampoline_lowered:
0x8: {  	[smem:$0x3FAA] =	sst s0  }
0x9: {  	[smem:$0x3FAB] =	sst s1  }
0xa: {  	[smem:$0x3FAC] =	sst s2  }
0xb: {  	[smem:$0x3FAD] =	sst s3  }
0xc: {  	[smem:$0x3FAE] =	sst s4  }
0xd: {  	[smem:$0x3FAF] =	sst s5  }
0xe: {  	[smem:$0x3FB0] =	sst s6  }
0xf: {  	[smem:$0x3FB1] =	sst s7  }
0x10: {  	[smem:$0x3FB2] =	sst s8  }
0x11: {  	[smem:$0x3FB3] =	sst s9;
	s0 =	simm.s32 @!p0 $0x0  }
0x12: {  	s1 =	sld [smem:$0x3F99];
	s0 =	simm.s32 @p0 $0x1  }
0x13: {  	[smem:$0x3FB4] =	sst s0;
	s0 =	simm.s32 @!p1 $0x0  }
0x14: {  	s2 =	sld [smem:$0x3F98];
	s0 =	simm.s32 @p1 $0x1  }
0x15: {  	[smem:$0x3FB5] =	sst s0;
	s0 =	simm.s32 @!p2 $0x0  }
0x16: {  	s3 =	sld [smem:$0x3FDB];
	s0 =	simm.s32 @p2 $0x1  }
0x17: {  	s4 =	simm.s32 $0x1BF5;
	[smem:$0x3FB7] =	sst s0  }
0x18: {  	s0 =	sld [smem:$0x3F9A];
	_ =	swait.ge [sflag:s4], $0x0  }
0x19: {  	s7 =	sld [smem:$0x3F9B]  }
0x1a: {  	s8 =	sadd.s32 $0xFFFFE003, lr  }
0x1b: {  	s9 =	sadd.s32 $0xFFFFFEF7, lr;
	s5 =	simm.s32 $0xFFFFFFFF;
	p2 =	slt.u32 s8, $0xFFFFF086  }
0x1c: {  	p1 =	slt.u32 s9, $0xF7A;
	s5 =	simm.s32 @!p2 $0x0  }
0x1d: {  	s5 =	simm.s32 @p1 $0x1;
	p0 =	seq.s32 s7, s2  }
0x1e: {  	s7 =	smul.u32 @!p0 $0xF7A, s2;
	p2 =	seq.s32 @!p0 s5, $0x0  }
0x1f: {  	s9 =	smul.u32 $0xF7A, s1;
	s8 =	simm.s32 @!p0 $0x1BF5;
	p2 =	por !p2, p0  }
0x20: {  	[sflag:s8] =	ssyncset.s32 @!p0 $0xFFFFF086;
	s6 =	sadd.s32 @!p0 s3, s7;
	s7 =	simm.s32 @!p0 $0x108  }
0x21: {  	s3 =	sadd.s32 s3, s9;
	s6 =	sadd.s32 @!p0 $0x88, s6;
	s7 =	simm.s32 @p2 $0x1082  }
0x22: {  	[simem:s7], [sflag:s8] =	dma.local @!p0 [hbm:s6], $0xF7A  }
0x23: {  	s9 =	sor.u32 $0xD0000000, s2;
	s6 =	simm.s32 $0x108;
	_ =	swait.ge @!p0 [sflag:s8], $0x0  }
0x24: {  	s3 =	sadd.s32 $0x88, s3;
	s6 =	simm.s32 @!p1 $0x1082;
	[sflag:s4] =	ssyncset.s32 $0xFFFFF086  }
0x25: {  	[simem:s6], [sflag:s4] =	dma.local [hbm:s3], $0xF7A  }
0x26: {  	[smem:$0x3F9B] =	sst s1;
	(tag) =	ssettag s2;
	_ =	strace s9  }
0x27: {  	s1 =	sld [smem:$0x3FAB]  }
0x28: {  	s2 =	sld [smem:$0x3FAC]  }
0x29: {  	s4 =	sld [smem:$0x3FAE]  }
0x2a: {  	p0 =	seq.s32 s5, $0x0;
	s5 =	sld [smem:$0x3FAF]  }
0x2b: {  	s6 =	sld [smem:$0x3FB0]  }
0x2c: {  	s7 =	sld [smem:$0x3FB1]  }
0x2d: {  	s3 =	simm.s32 $0x108;
	s8 =	sld [smem:$0x3FB2]  }
0x2e: {  	s3 =	simm.s32 @!p0 $0x1082;
	s9 =	sld [smem:$0x3FB3]  }
0x2f: {  	lr =	sadd.s32 s0, s3;
	s0 =	sld [smem:$0x3FAA]  }
0x30: {  	s3 =	sld [smem:$0x3FAD]  }
0x31: {  	[smem:$0x3FB6] =	sst s10  }
0x32: {  	s10 =	sld [smem:$0x3FB4];
	_ =	sdelay $0x3  }
0x33: {  	p0 =	seq.s32 s10, $0x1;
	s10 =	sld [smem:$0x3FB6];
	_ =	sdelay $0x3  }
0x34: {  	[smem:$0x3FB6] =	sst s10  }
0x35: {  	s10 =	sld [smem:$0x3FB5];
	_ =	sdelay $0x3  }
0x36: {  	p1 =	seq.s32 s10, $0x1;
	s10 =	sld [smem:$0x3FB6];
	_ =	sdelay $0x3  }
0x37: {  	[smem:$0x3FB6] =	sst s10  }
0x38: {  	s10 =	sld [smem:$0x3FB7]  }
0x39: {  	_ = 	snop;
	(pc) =	sbr.ind lr, $3  }
0x3a: {  	_ = 	snop  }
0x3b: {  	_ = 	snop  }
0x3c: {  	p2 =	seq.s32 s10, $0x1;
	s10 =	sld [smem:$0x3FB6]  }
0x3d: {  	_ =	shalt  }
0x3e: {  	_ =	shalt  }
0x3f: {  	_ =	shalt  }
0x40: {  	_ =	shalt  }
0x41: {  	_ =	shalt  }
0x42: {  	_ =	shalt  }
0x43: {  	_ =	shalt  }
0x44: {  	_ =	shalt  }
0x45: {  	_ =	shalt  }
0x46: {  	_ =	shalt  }
0x47: {  	_ =	shalt  }
0x48: {  	_ =	shalt  }
0x49: {  	_ =	shalt  }
0x4a: {  	_ =	shalt  }
0x4b: {  	_ =	shalt  }
0x4c: {  	_ =	shalt  }
0x4d: {  	_ =	shalt  }
0x4e: {  	_ =	shalt  }
0x4f: {  	_ =	shalt  }
0x50: {  	_ =	shalt  }
0x51: {  	_ =	shalt  }
0x52: {  	_ =	shalt  }
0x53: {  	_ =	shalt  }
0x54: {  	_ =	shalt  }
0x55: {  	_ =	shalt  }
0x56: {  	_ =	shalt  }
0x57: {  	_ =	shalt  }
0x58: {  	_ =	shalt  }
0x59: {  	_ =	shalt  }
0x5a: {  	_ =	shalt  }
0x5b: {  	_ =	shalt  }
0x5c: {  	_ =	shalt  }
0x5d: {  	_ =	shalt  }
0x5e: {  	_ =	shalt  }
0x5f: {  	_ =	shalt  }
0x60: {  	_ =	shalt  }
0x61: {  	_ =	shalt  }
0x62: {  	_ =	shalt  }
0x63: {  	_ =	shalt  }
0x64: {  	_ =	shalt  }
0x65: {  	_ =	shalt  }
0x66: {  	_ =	shalt  }
0x67: {  	_ =	shalt  }
0x68: {  	_ =	shalt  }
0x69: {  	_ =	shalt  }
0x6a: {  	_ =	shalt  }
0x6b: {  	_ =	shalt  }
0x6c: {  	_ =	shalt  }
0x6d: {  	_ =	shalt  }
0x6e: {  	_ =	shalt  }
0x6f: {  	_ =	shalt  }
0x70: {  	_ =	shalt  }
0x71: {  	_ =	shalt  }
0x72: {  	_ =	shalt  }
0x73: {  	_ =	shalt  }
0x74: {  	_ =	shalt  }
0x75: {  	_ =	shalt  }
0x76: {  	_ =	shalt  }
0x77: {  	_ =	shalt  }
0x78: {  	_ =	shalt  }
0x79: {  	_ =	shalt  }
0x7a: {  	_ =	shalt  }
0x7b: {  	_ =	shalt  }
0x7c: {  	_ =	shalt  }
0x7d: {  	_ =	shalt  }
0x7e: {  	_ =	shalt  }
0x7f: {  	_ =	shalt  }
0x80: {  	_ =	shalt  }
0x81: {  	_ =	shalt  }
0x82: {  	_ =	shalt  }
0x83: {  	_ =	shalt  }
0x84: {  	_ =	shalt  }
0x85: {  	_ =	shalt  }
0x86: {  	_ =	shalt  }
0x87: {  	_ =	shalt  }
.Lfunc_end0:
.L_simem_size_0:
called_computation.2_lowered:
.L_overlay_start_0:
0x88: {  	s2 =	sld [smem:$0x3FD9]  }
0x89: {  	s3 =	sld [smem:$0x3FFE];
	_ =	sdelay $0x1  }
0x8a: {  	s1 =	srdreg.scid  }
0x8b: {  	s0 =	sand.u32 $0x1, s1  }
0x8c: {  	s17 =	sshll.u32 s0, $0xA;
	s2 =	sadd.s32 s3, s2  }
0x8d: {  	s2 =	sadd.s32 s2, s17  }
0x8e: {  	[smem:$0x3FC2] =	sst s2  }
0x8f: {  	_ = 	snop  }
0x90: {  	s2 =	sld [smem:$0x3FD0];
	(tm) =	ssettm $0x1  }
0x91: {  	s18 =	sld [smem:$0x3FFB];
	_ =	sdelay $0x3  }
0x92: {  	_ =	strace s18  }
0x93: {  	s3 =	sld [smem:$0x3FFC];
	_ =	sdelay $0x3  }
0x94: {  	_ =	strace s3  }
0x95: {  	s3 =	sld [smem:$0x3FFD];
	_ =	sdelay $0x3  }
0x96: {  	_ =	strace s3  }
0x97: {  	_ =	strace $0x8FFFFFFF  }
0x98: {  	s19 =	sld [smem:$0x3FDB];
	_ =	sdelay $0x1  }
0x99: {  	s4 =	simm.s32 $_scs_section_size  }
0x9a: {  	s5 =	simm.s32 $_size__tile_overlayer_lowered;
	s6 =	simm.s32 $_tile_overlayer_lowered  }
0x9b: {  	s22 =	simm.s32 $0x1BFF;
	s21 =	sshll.u32 s6, $0x1;
	s3 =	sadd.s32 s4, s19  }
0x9c: {  	s7 =	simm.s32 $0x0;
	s20 =	sshll.u32 s5, $0x1;
	s5 =	sadd.s32 s21, s3  }
0x9d: {  	[timem:s7], [sflag:s22] =	dma.local [hbm:s5], s20  }
0x9e: {  	_ =	swait.ge [sflag:s22], s20  }
0x9f: {  	s4 =	ssub.s32 $0x0, s20;
	[sflag:s22] =	ssyncset.done $0x0  }
0xa0: {  	[sflag:s22] =	ssyncadd.s32 s4;
	_ =	sdelay $0x1  }
0xa1: {  	s23 =	simm.s32 $0x1B8B  }
0xa2: {  	_ =	swait.ge [sflag:s23], $0x1  }
0xa3: {  	[sflag:s23] =	ssyncset.done $0x0  }
0xa4: {  	s25 =	simm.s32 $0x1B8E;
	s24 =	sld [smem:$0x3FFE];
	[sflag:s23] =	ssyncadd.s32 $0xFFFFFFFF  }
0xa5: {  	s26 =	simm.s32 $execute0_lowered;
	[smem:$0x3FD2] =	sst s25  }
0xa6: {  	s5 =	sshll.u32 s26, $0x1;
	_ =	strace $0x8000004C;
	[dreg:$0x1] =	wrdreg $0xFFFFFFFF  }
0xa7: {  	s28 =	simm.s32 $_size_execute0_lowered;
	s3 =	sadd.s32 s3, s5;
	[dreg:$0x0] =	wrdreg $0x0  }
0xa8: {  	s5 =	sshll.u32 s28, $0x1;
	[dreg:$0x2] =	wrdreg s3  }
0xa9: {  	[dreg:$0x3] =	wrdreg s5  }
0xaa: {  	[dreg:$0x4] =	wrdreg $0xC0  }
0xab: {  	_ =	task [dreg:s7], $0x5FFFF  }
0xac: {  	[dreg:$0x1] =	wrdreg $0xFFFFFFFF  }
0xad: {  	[dreg:$0x0] =	wrdreg $0x60  }
0xae: {  	[dreg:$0x2] =	wrdreg s2  }
0xaf: {  	[dreg:$0x3] =	wrdreg s24  }
0xb0: {  	[dreg:$0x4] =	wrdreg $0x0  }
0xb1: {  	[dreg:$0x5] =	wrdreg $0x9  }
0xb2: {  	_ =	task.clear_ibuf [dreg:s7], $0x6FFFF;
	_ =	strace $0x9000004C  }
0xb3: {  	s29 =	simm.s32 $0x9;
	_ =	strace $0x8000004E  }
0xb4: {  	_ =	swait.ge [sflag:s29], $0x1  }
0xb5: {  	[sflag:s29] =	ssyncadd.s32 $0xFFFFFFFF  }
0xb6: {  	_ =	strace $0x9000004E  }
0xb7: {  	_ =	sfence  }
0xb8: {  	s30 =	sld [smem:$0x0];
	_ =	sdelay $0x2  }
0xb9: {  	s31 =	sshll.u32 s1, $0xD;
	s1 =	sshrl.u32 s1, $0x2  }
0xba: {  	s3 =	sand.u32 $0x4000, s31;
	s1 =	sadd.s32 s1, s30  }
0xbb: {  	s0 =	sor.u32 s3, s0;
	s1 =	sshll.u32 s1, $0x11  }
0xbc: {  	s0 =	sor.u32 s1, s0  }
0xbd: {  	s0 =	sadd.s32 $0x8F2B, s0  }
0xbe: {  	[sflag:s0] =	ssyncadd.remote.s32 $0x1  }
0xbf: {  	_ =	sfence.sel $0xFFFF  }
0xc0: {  	[dreg:$0x0] =	wrdreg $0xFFFFFFFF;
	(pc) =	sbr.abs _section_cstart, $3  }
0xc1: {  	[dreg:$0x1] =	wrdreg $0xFFFFFFFF  }
0xc2: {  	_ =	task.clear_ibuf [dreg:s7], $0x2FFFF;
	_ =	strace $0x9FFFFFFF  }
0xc3: {  	(tm) =	ssettm $0x7FFFFFFF  }
tec
execute0_lowered:
.L_overlay_start_1:
0x0: {  	(tag) =	ssettag $0x1  }
0x1: {  	s0 =	rddreg [dreg:$0x0]  }
0x2: {  	s1 =	srdreg.scid;
	s6 =	rddreg [dreg:$0x1]  }
0x3: {  	s7 =	stileid.u32;
	s2 =	rddreg [dreg:$0x2];
	s16 =	simm.s32 $0x7  }
0x4: {  	s19 =	simm.s32 $0x16800;
	s20 =	simm.s32 $0x1;
	s28 =	simm.s32 $0x1A900  }
0x5: {  	s29 =	simm.s32 $0x3;
	s30 =	simm.s32 $0x5;
	s12 =	smul.u32 $0x50000, s7  }
0x6: {  	s31 =	simm.s32 $0x4;
	s1 =	sand.u32 $0x1, s1;
	s23 =	smul.u32 $0x13800, s7  }
0x7: {  	s5 =	sadd.s32 $0xC800, s6;
	s11 =	sadd.s32 $0x16800, s6;
	s24 =	smul.u32 $0x4E000, s7  }
0x8: {  	s26 =	sshll.u32 s7, $0x6;
	p0 =	sne.s32 s7, $0x0;
	s3 =	sshll.u32 s1, $0x4  }
0x9: {  	s10 =	ssub.s32 $0x2, s1;
	s1 =	smul.u32 $0x138800, s1;
	s17 =	sor.u32 $0x1C07, s26  }
0xa: {  	s26 =	simm.s32 $0x2;
	s4 =	sor.u32 s7, s3;
	s3 =	simm.s32 $0x0  }
0xb: {  	s21 =	sshrl.u32 s10, $0x1;
	s22 =	sshrl.u32 s12, $0x2;
	s12 =	sshrl.u32 s24, $0x2  }
0xc: {  	s4 =	smul.u32 $0x2800, s4;
	[smem:$0x7FF] =	sst s3;
	s10 =	ssub.s32 s10, s21  }
0xd: {  	s25 =	sadd.s32 s12, s2;
	s21 =	simm.s32 $0x80;
	_ =	strace $0x8000004D  }
0xe: {  	[dreg:$0x4] =	wrdreg s11;
	s11 =	sadd.s32 s23, s1;
	s1 =	sshrl.u32 s1, $0x3  }
0xf: {  	s10 =	smax.u32 s10, $0x1;
	s23 =	simm.s32 $0x16880;
	s8 =	sshrl.u32 s4, $0x3  }
0x10: {  	s24 =	sshrl.u32 s25, $0x3;
	s11 =	sshrl.u32 s11, $0x3;
	s9 =	sadd.s32 s8, s6  }
0x11: {  	[dreg:$0x9] =	wrdreg s10;
	s8 =	sadd.s32 s5, s8;
	s9 =	sadd.s32 $0x2800, s9  }
0x12: {  	s6 =	sadd.s32 $0x19000, s6;
	s13 =	sadd.s32 $0x10, s8;
	[dreg:$0x5] =	wrdreg s9  }
0x13: {  	s1 =	sadd.s32 s6, s1;
	s6 =	sadd.s32 s6, s11;
	[dreg:$0x6] =	wrdreg s13  }
0x14: {  	s14 =	sadd.s32 $0x30, s8;
	s9 =	sadd.s32 s22, s2;
	[dreg:$0x7] =	wrdreg s6  }
0x15: {  	s1 =	sadd.s32 $0x27000, s1;
	s13 =	sadd.s32 $0x20, s8;
	s22 =	simm.s32 $0x16900  }
0x16: {  	s6 =	simm.s32 $0x0;
	[dreg:$0x8] =	wrdreg s1;
	s1 =	sadd.s32 $0x138000, s2  }
0x17: {  	s18 =	sshrl.u32 s9, $0x3;
	s25 =	sshrl.u32 @!p0 s1, $0x3;
	s1 =	simm.s32 $0x6  }
.LBB2_1:
0x18: {  	s7 =	rddreg [dreg:$0x5];
	s9 =	simm.s32 $0x14000  }
0x19: {  	[tilespmem:s9], [sflag:$0x7] =	stream.linear.gather [hbm4b:s7+s3], $0x2800, $0x38;
	[tilespmem:$0x1E900] =	vst v63  }
0x1a: {  	_ =	swait.ge [sflag:s16], $0x2800  }
0x1b: {  	[sflag:s16] =	ssyncset.done $0x0  }
0x1c: {  	s15 =	rddreg [dreg:$0x4];
	[sflag:s16] =	ssyncadd.s32 $0xFFFFD800  }
0x1d: {  	[spmem:s18], [sflag:s17] =	dma.local [hbm:s15], $0x2800  }
0x1e: {  	_ =	swait.ge [sflag:s16], $0x2800  }
0x1f: {  	[sflag:s16] =	ssyncset.done $0x0  }
0x20: {  	[sflag:s16] =	ssyncadd.s32 $0xFFFFD800  }
0x21: {  	[bflag:$0x0] =	sbarrier.arrive $0xFFFF  }
0x22: {  	[tilespmem:s19], [sflag:$0x1] =	stream.linear.gather [hbm4b:s8+s3], $0x80, $0x38;
	[tilespmem:$0x1E900] =	vst v63  }
0x23: {  	_ =	swait.ge [sflag:s20], $0x80  }
0x24: {  	[sflag:s20] =	ssyncset.done $0x0  }
0x25: {  	[sflag:s20] =	ssyncadd.s32 $0xFFFFFF80  }
0x26: {  	[tilespmem:s22], [sflag:$0x3] =	stream.indirect.gather [hbm4b:s0+s21], $0x80, s19, s21, $0xb8;
	[tilespmem:$0x1E900] =	vst v63  }
0x27: {  	s10 =	rddreg [dreg:$0x6]  }
0x28: {  	[tilespmem:s23], [sflag:$0x2] =	stream.linear.gather [hbm4b:s10+s3], $0x80, $0x38;
	[tilespmem:$0x1E900] =	vst v63  }
0x29: {  	_ =	swait.ge [sflag:s26], $0x80  }
0x2a: {  	[sflag:s26] =	ssyncset.done $0x0  }
0x2b: {  	[sflag:s26] =	ssyncadd.s32 $0xFFFFFF80  }
0x2c: {  	[tilespmem:s28], [sflag:$0x4] =	stream.indirect.gather [hbm4b:s0+s21], $0x80, s23, s21, $0xb8;
	[tilespmem:$0x1E900] =	vst v63  }
0x2d: {  	_ =	swait.ge [sflag:s29], $0x4000  }
0x2e: {  	[sflag:s29] =	ssyncset.done $0x0  }
0x2f: {  	[sflag:s29] =	ssyncadd.s32 $0xFFFFC000  }
0x30: {  	[tilespmem:s19], [sflag:$0x1] =	stream.linear.gather [hbm4b:s13+s3], $0x80, $0x38;
	[tilespmem:$0x1E900] =	vst v63  }
0x31: {  	_ = 	snop  }
0x32: {  	[spmem:s2] =	stream.indirect.scatter.add.f32 [tilespmem:s22], [sflag:$0x5], $0x80, s9, s21, $0xb8;
	[tilespmem:$0x1E900] =	vst v63  }
0x33: {  	_ =	swait.ge [sflag:s30], $0x4000  }
0x34: {  	[sflag:s30] =	ssyncset.done $0x0  }
0x35: {  	[sflag:s30] =	ssyncadd.s32 $0xFFFFC000  }
0x36: {  	_ =	swait.ge [sflag:s20], $0x80  }
0x37: {  	[sflag:s20] =	ssyncset.done $0x0  }
0x38: {  	[sflag:s20] =	ssyncadd.s32 $0xFFFFFF80  }
0x39: {  	[tilespmem:s22], [sflag:$0x3] =	stream.indirect.gather [hbm4b:s0+s21], $0x80, s19, s21, $0xb8;
	[tilespmem:$0x1E900] =	vst v63  }
0x3a: {  	_ =	swait.ge [sflag:s31], $0x4000  }
0x3b: {  	[sflag:s31] =	ssyncset.done $0x0  }
0x3c: {  	[sflag:s31] =	ssyncadd.s32 $0xFFFFC000  }
0x3d: {  	[tilespmem:s23], [sflag:$0x2] =	stream.linear.gather [hbm4b:s14+s3], $0x80, $0x38;
	[tilespmem:$0x1E900] =	vst v63  }
0x3e: {  	s11 =	simm.s32 $0x14080  }
0x3f: {  	[spmem:s2] =	stream.indirect.scatter.add.f32 [tilespmem:s28], [sflag:$0x6], $0x80, s11, s21, $0xb8;
	[tilespmem:$0x1E900] =	vst v63  }
0x40: {  	_ =	swait.ge [sflag:s1], $0x4000  }
0x41: {  	[sflag:s1] =	ssyncset.done $0x0  }
0x42: {  	[sflag:s1] =	ssyncadd.s32 $0xFFFFC000  }
0x43: {  	s12 =	simm.s32 $0x200;
	_ =	swait.ge [sflag:s26], $0x80  }
0x44: {  	s15 =	sand.u32 $0x7C00, s12;
	[sflag:s26] =	ssyncset.done $0x0  }
0x45: {  	s7 =	sand.u32 $0x300, s12;
	s9 =	sadd.s32 s4, s15;
	[sflag:s26] =	ssyncadd.s32 $0xFFFFFF80  }
0x46: {  	[tilespmem:s28], [sflag:$0x4] =	stream.indirect.gather [hbm4b:s0+s21], $0x80, s23, s21, $0xb8;
	[tilespmem:$0x1E900] =	vst v63  }
0x47: {  	s7 =	sor.u32 s7, s9;
	_ =	swait.ge [sflag:s29], $0x4000  }
0x48: {  	s7 =	sshrl.u32 s7, $0x3;
	[sflag:s29] =	ssyncset.done $0x0  }
0x49: {  	s7 =	sadd.s32 s5, s7;
	[sflag:s29] =	ssyncadd.s32 $0xFFFFC000  }
0x4a: {  	[tilespmem:s19], [sflag:$0x1] =	stream.linear.gather [hbm4b:s7+s3], $0x80, $0x38;
	[tilespmem:$0x1E900] =	vst v63  }
0x4b: {  	s10 =	simm.s32 $0x14100  }
0x4c: {  	[spmem:s2] =	stream.indirect.scatter.add.f32 [tilespmem:s22], [sflag:$0x5], $0x80, s10, s21, $0xb8;
	[tilespmem:$0x1E900] =	vst v63  }
0x4d: {  	_ =	swait.ge [sflag:s30], $0x4000  }
0x4e: {  	[sflag:s30] =	ssyncset.done $0x0  }
0x4f: {  	[sflag:s30] =	ssyncadd.s32 $0xFFFFC000  }
0x50: {  	s11 =	simm.s32 $0x280;
	_ =	swait.ge [sflag:s20], $0x80  }
0x51: {  	s12 =	sand.u32 $0x7C00, s11;
	[sflag:s20] =	ssyncset.done $0x0  }
0x52: {  	s9 =	sadd.s32 s4, s12;
	s7 =	sand.u32 $0x380, s11;
	[sflag:s20] =	ssyncadd.s32 $0xFFFFFF80  }
0x53: {  	[tilespmem:s22], [sflag:$0x3] =	stream.indirect.gather [hbm4b:s0+s21], $0x80, s19, s21, $0xb8;
	[tilespmem:$0x1E900] =	vst v63  }
0x54: {  	s7 =	sor.u32 s7, s9;
	_ =	swait.ge [sflag:s31], $0x4000  }
0x55: {  	s7 =	sshrl.u32 s7, $0x3;
	[sflag:s31] =	ssyncset.done $0x0  }
0x56: {  	s7 =	sadd.s32 s5, s7;
	[sflag:s31] =	ssyncadd.s32 $0xFFFFC000  }
0x57: {  	[tilespmem:s23], [sflag:$0x2] =	stream.linear.gather [hbm4b:s7+s3], $0x80, $0x38;
	[tilespmem:$0x1E900] =	vst v63  }
0x58: {  	s7 =	simm.s32 $0x14180  }
0x59: {  	[spmem:s2] =	stream.indirect.scatter.add.f32 [tilespmem:s28], [sflag:$0x6], $0x80, s7, s21, $0xb8;
	[tilespmem:$0x1E900] =	vst v63  }
0x5a: {  	s15 =	simm.s32 $0x300;
	_ =	swait.ge [sflag:s1], $0x4000  }
0x5b: {  	s10 =	sand.u32 $0x7C00, s15;
	[sflag:s1] =	ssyncset.done $0x0  }
0x5c: {  	s11 =	sand.u32 $0x300, s15;
	s10 =	sadd.s32 s4, s10;
	[sflag:s1] =	ssyncadd.s32 $0xFFFFC000  }
0x5d: {  	s9 =	simm.s32 $0x380;
	s11 =	sor.u32 s11, s10;
	_ =	swait.ge [sflag:s26], $0x80  }
0x5e: {  	s10 =	simm.s32 $0x480;
	s11 =	sshrl.u32 s11, $0x3;
	[sflag:s26] =	ssyncset.done $0x0  }
.LBB2_2:
0x5f: {  	[sflag:s26] =	ssyncadd.s32 $0xFFFFFF80  }
0x60: {  	s7 =	sadd.s32 $0x100, s7;
	s12 =	smov.u32 s10;
	s15 =	sadd.s32 $0x100, s10  }
0x61: {  	[tilespmem:s28], [sflag:$0x4] =	stream.indirect.gather [hbm4b:s0+s21], $0x80, s23, s21, $0xb8;
	[tilespmem:$0x1E900] =	vst v63  }
0x62: {  	p1 =	sne.s32 s10, $0x2780;
	_ =	swait.ge [sflag:s29], $0x4000  }
0x63: {  	s10 =	sadd.s32 s5, s11;
	[sflag:s29] =	ssyncset.done $0x0  }
0x64: {  	[sflag:s29] =	ssyncadd.s32 $0xFFFFC000  }
0x65: {  	[tilespmem:s19], [sflag:$0x1] =	stream.linear.gather [hbm4b:s10+s3], $0x80, $0x38;
	[tilespmem:$0x1E900] =	vst v63  }
0x66: {  	s10 =	sadd.s32 $0xFFFFFF80, s7  }
0x67: {  	[spmem:s2] =	stream.indirect.scatter.add.f32 [tilespmem:s22], [sflag:$0x5], $0x80, s10, s21, $0xb8;
	[tilespmem:$0x1E900] =	vst v63  }
0x68: {  	_ =	swait.ge [sflag:s30], $0x4000  }
0x69: {  	[sflag:s30] =	ssyncset.done $0x0  }
0x6a: {  	[sflag:s30] =	ssyncadd.s32 $0xFFFFC000  }
0x6b: {  	_ =	swait.ge [sflag:s20], $0x80  }
0x6c: {  	s10 =	sand.u32 $0x7C00, s9;
	[sflag:s20] =	ssyncset.done $0x0  }
0x6d: {  	s9 =	sand.u32 $0x380, s9;
	s10 =	sadd.s32 s4, s10;
	[sflag:s20] =	ssyncadd.s32 $0xFFFFFF80  }
0x6e: {  	[tilespmem:s22], [sflag:$0x3] =	stream.indirect.gather [hbm4b:s0+s21], $0x80, s19, s21, $0xb8;
	[tilespmem:$0x1E900] =	vst v63  }
0x6f: {  	s10 =	sor.u32 s9, s10;
	s9 =	smov.u32 s12;
	_ =	swait.ge [sflag:s31], $0x4000  }
0x70: {  	s10 =	sshrl.u32 s10, $0x3;
	[sflag:s31] =	ssyncset.done $0x0  }
0x71: {  	s10 =	sadd.s32 s5, s10;
	[sflag:s31] =	ssyncadd.s32 $0xFFFFC000  }
0x72: {  	[tilespmem:s23], [sflag:$0x2] =	stream.linear.gather [hbm4b:s10+s3], $0x80, $0x38;
	[tilespmem:$0x1E900] =	vst v63  }
0x73: {  	_ = 	snop  }
0x74: {  	[spmem:s2] =	stream.indirect.scatter.add.f32 [tilespmem:s28], [sflag:$0x6], $0x80, s7, s21, $0xb8;
	[tilespmem:$0x1E900] =	vst v63  }
.Ltmp0:
0x75: {  	s10 =	sadd.s32 $0xFFFFFF80, s9;
	_ =	swait.ge [sflag:s1], $0x4000;
	(pc) =	sbr.rel @p1 .LBB2_2-.Ltmp0, $4  }
0x76: {  	s11 =	sand.u32 $0x7C00, s10;
	[sflag:s1] =	ssyncset.done $0x0  }
0x77: {  	s10 =	sand.u32 $0x300, s10;
	s11 =	sadd.s32 s4, s11;
	[sflag:s1] =	ssyncadd.s32 $0xFFFFC000  }
0x78: {  	s10 =	sor.u32 s10, s11;
	_ =	swait.ge [sflag:s26], $0x80  }
0x79: {  	s11 =	sshrl.u32 s10, $0x3;
	s10 =	smov.u32 s15;
	[sflag:s26] =	ssyncset.done $0x0  }
0x7a: {  	[sflag:s26] =	ssyncadd.s32 $0xFFFFFF80  }
0x7b: {  	[tilespmem:s28], [sflag:$0x4] =	stream.indirect.gather [hbm4b:s0+s21], $0x80, s23, s21, $0xb8;
	[tilespmem:$0x1E900] =	vst v63  }
0x7c: {  	_ =	swait.ge [sflag:s29], $0x4000  }
0x7d: {  	[sflag:s29] =	ssyncset.done $0x0  }
0x7e: {  	s7 =	sadd.s32 $0x100, s7;
	s10 =	sadd.s32 s5, s11;
	[sflag:s29] =	ssyncadd.s32 $0xFFFFC000  }
0x7f: {  	[tilespmem:s19], [sflag:$0x1] =	stream.linear.gather [hbm4b:s10+s3], $0x80, $0x38;
	[tilespmem:$0x1E900] =	vst v63  }
0x80: {  	s11 =	sadd.s32 $0xFFFFFF80, s7  }
0x81: {  	[spmem:s2] =	stream.indirect.scatter.add.f32 [tilespmem:s22], [sflag:$0x5], $0x80, s11, s21, $0xb8;
	[tilespmem:$0x1E900] =	vst v63  }
0x82: {  	_ =	swait.ge [sflag:s30], $0x4000  }
0x83: {  	[sflag:s30] =	ssyncset.done $0x0  }
0x84: {  	[sflag:s30] =	ssyncadd.s32 $0xFFFFC000  }
0x85: {  	_ =	swait.ge [sflag:s20], $0x80  }
0x86: {  	s12 =	sand.u32 $0x7C00, s9;
	[sflag:s20] =	ssyncset.done $0x0  }
0x87: {  	s15 =	sand.u32 $0x380, s9;
	s10 =	sadd.s32 s4, s12;
	[sflag:s20] =	ssyncadd.s32 $0xFFFFFF80  }
0x88: {  	[tilespmem:s22], [sflag:$0x3] =	stream.indirect.gather [hbm4b:s0+s21], $0x80, s19, s21, $0xb8;
	[tilespmem:$0x1E900] =	vst v63  }
0x89: {  	s9 =	sor.u32 s15, s10;
	_ =	swait.ge [sflag:s31], $0x4000  }
0x8a: {  	s9 =	sshrl.u32 s9, $0x3;
	[sflag:s31] =	ssyncset.done $0x0  }
0x8b: {  	s9 =	sadd.s32 s5, s9;
	[sflag:s31] =	ssyncadd.s32 $0xFFFFC000  }
0x8c: {  	[tilespmem:s23], [sflag:$0x2] =	stream.linear.gather [hbm4b:s9+s3], $0x80, $0x38;
	[tilespmem:$0x1E900] =	vst v63  }
0x8d: {  	_ = 	snop  }
0x8e: {  	[spmem:s2] =	stream.indirect.scatter.add.f32 [tilespmem:s28], [sflag:$0x6], $0x80, s7, s21, $0xb8;
	[tilespmem:$0x1E900] =	vst v63  }
0x8f: {  	_ =	swait.ge [sflag:s1], $0x4000  }
0x90: {  	[sflag:s1] =	ssyncset.done $0x0  }
0x91: {  	[sflag:s1] =	ssyncadd.s32 $0xFFFFC000  }
0x92: {  	_ =	swait.ge [sflag:s26], $0x80  }
0x93: {  	[sflag:s26] =	ssyncset.done $0x0  }
0x94: {  	[sflag:s26] =	ssyncadd.s32 $0xFFFFFF80  }
0x95: {  	[tilespmem:s28], [sflag:$0x4] =	stream.indirect.gather [hbm4b:s0+s21], $0x80, s23, s21, $0xb8;
	[tilespmem:$0x1E900] =	vst v63  }
0x96: {  	_ =	swait.ge [sflag:s29], $0x4000  }
0x97: {  	[sflag:s29] =	ssyncset.done $0x0  }
0x98: {  	s10 =	simm.s32 $0x16700;
	[sflag:s29] =	ssyncadd.s32 $0xFFFFC000  }
0x99: {  	[spmem:s2] =	stream.indirect.scatter.add.f32 [tilespmem:s22], [sflag:$0x5], $0x80, s10, s21, $0xb8;
	[tilespmem:$0x1E900] =	vst v63  }
0x9a: {  	_ =	swait.ge [sflag:s30], $0x4000  }
0x9b: {  	[sflag:s30] =	ssyncset.done $0x0  }
0x9c: {  	[sflag:s30] =	ssyncadd.s32 $0xFFFFC000  }
0x9d: {  	_ =	swait.ge [sflag:s31], $0x4000  }
0x9e: {  	[sflag:s31] =	ssyncset.done $0x0  }
0x9f: {  	s11 =	simm.s32 $0x16780;
	[sflag:s31] =	ssyncadd.s32 $0xFFFFC000  }
0xa0: {  	[spmem:s2] =	stream.indirect.scatter.add.f32 [tilespmem:s28], [sflag:$0x6], $0x80, s11, s21, $0xb8;
	[tilespmem:$0x1E900] =	vst v63  }
0xa1: {  	_ =	swait.ge [sflag:s1], $0x4000  }
0xa2: {  	[sflag:s1] =	ssyncset.done $0x0  }
0xa3: {  	[sflag:s1] =	ssyncadd.s32 $0xFFFFC000  }
0xa4: {  	[bflag:$0x0] =	sbarrier.arrive $0xFFFF  }
0xa5: {  	s12 =	rddreg [dreg:$0x7]  }
0xa6: {  	[hbm:s12], [sflag:s17] =	dma.local [spmem:s24], $0x2700  }
0xa7: {  	_ =	swait.ge [sflag:s16], $0x2700  }
0xa8: {  	[sflag:s16] =	ssyncset.done $0x0  }
0xa9: {  	s7 =	rddreg [dreg:$0x8];
	[sflag:s16] =	ssyncadd.s32 $0xFFFFD900  }
0xaa: {  	[hbm:s7], [sflag:s17] =	dma.local @!p0 [spmem:s25], $0x100  }
0xab: {  	s7 =	simm.s32 @!p0 $0x7  }
0xac: {  	_ =	swait.ge @!p0 [sflag:s7], $0x100  }
0xad: {  	s6 =	sadd.s32 $0x1, s6;
	s15 =	rddreg [dreg:$0x9]  }
0xae: {  	p1 =	sne.s32 s6, s15  }
.Ltmp1:
0xaf: {  	_ = 	snop;
	(pc) =	sbr.rel @p1 .LBB2_1-.Ltmp1, $3  }
0xb0: {  	_ =	sdelay $0x1  }
0xb1: {  	[sflag:s7] =	ssyncset.done @!p0 $0x0  }
0xb2: {  	[sflag:s7] =	ssyncadd.s32 @!p0 $0xFFFFFF00  }
0xb3: {  	_ =	sfence.sel $0x180000  }
0xb4: {  	[bflag:$0x0] =	sbarrier.arrive $0xFFFF  }
0xb5: {  	_ =	strace $0x9000004D  }
0xb6: {  	[bflag:$0x2] =	sbarrier.arrive $0xFFFF  }
0xb7: {  	s0 =	rddreg [dreg:$0x3]  }
0xb8: {  	s0 =	sadd.s32 @!p0 $0x100000, s0  }
0xb9: {  	[sflag:s0] =	ssyncadd.tile.s32 @!p0 $0x1;
	_ =	shalt  }
.Lfunc_end2:
_tile_overlayer_lowered:
.L_overlay_start_2:
0xba: {  	(tag) =	ssettag $0x2  }
0xbb: {  	s0 =	rddreg [dreg:$0x0];
	s2 =	stileid.u32  }
0xbc: {  	s1 =	rddreg [dreg:$0x1];
	p0 =	sne.s32 s2, $0x0  }
0xbd: {  	s3 =	rddreg [dreg:$0x2];
	[bflag:$0x3] =	sbarrier.arrive $0xFFFF;
	s2 =	simm.s32 @!p0 $0x1C07  }
0xbe: {  	[timem:s3], [sflag:s2] =	dma.local @!p0 [hbm:s0], s1  }
0xbf: {  	s0 =	simm.s32 @!p0 $0x7  }
0xc0: {  	_ =	swait.ge @!p0 [sflag:s0], s1  }
0xc1: {  	s1 =	ssub.s32 @!p0 $0x0, s1;
	[sflag:s0] =	ssyncset.done @!p0 $0x0  }
0xc2: {  	[sflag:s0] =	ssyncadd.s32 @!p0 s1  }
0xc3: {  	[bflag:$0x3] =	sbarrier.arrive $0xFFFF  }
0xc4: {  	_ =	shalt  }

// kernel: kernel.9.cloned.1.call-start
scs
__scs_entry_jumppad:
0x0: {  	(pc) =	sbr.rel $0x88, $3  }
0x1: {  	(tag) =	ssettag $0x0;
	lr =	simm.s32 $0x1  }
0x2: {  	[smem:$0x3F9B] =	sst lr;
	_ =	strace $0xD0000000  }
0x3: {  	_ = 	snop  }
0x4: {  	_ = 	snop  }
0x5: {  	_ = 	snop  }
0x6: {  	_ = 	snop  }
0x7: {  	_ = 	snop  }
__scs_overlays_trampoline_lowered:
0x8: {  	[smem:$0x3FAA] =	sst s0  }
0x9: {  	[smem:$0x3FAB] =	sst s1  }
0xa: {  	[smem:$0x3FAC] =	sst s2  }
0xb: {  	[smem:$0x3FAD] =	sst s3  }
0xc: {  	[smem:$0x3FAE] =	sst s4  }
0xd: {  	[smem:$0x3FAF] =	sst s5  }
0xe: {  	[smem:$0x3FB0] =	sst s6  }
0xf: {  	[smem:$0x3FB1] =	sst s7  }
0x10: {  	[smem:$0x3FB2] =	sst s8  }
0x11: {  	[smem:$0x3FB3] =	sst s9;
	s0 =	simm.s32 @!p0 $0x0  }
0x12: {  	s1 =	sld [smem:$0x3F99];
	s0 =	simm.s32 @p0 $0x1  }
0x13: {  	[smem:$0x3FB4] =	sst s0;
	s0 =	simm.s32 @!p1 $0x0  }
0x14: {  	s2 =	sld [smem:$0x3F98];
	s0 =	simm.s32 @p1 $0x1  }
0x15: {  	[smem:$0x3FB5] =	sst s0;
	s0 =	simm.s32 @!p2 $0x0  }
0x16: {  	s3 =	sld [smem:$0x3FDB];
	s0 =	simm.s32 @p2 $0x1  }
0x17: {  	s4 =	simm.s32 $0x1BF5;
	[smem:$0x3FB7] =	sst s0  }
0x18: {  	s0 =	sld [smem:$0x3F9A];
	_ =	swait.ge [sflag:s4], $0x0  }
0x19: {  	s7 =	sld [smem:$0x3F9B]  }
0x1a: {  	s8 =	sadd.s32 $0xFFFFE003, lr  }
0x1b: {  	s9 =	sadd.s32 $0xFFFFFEF7, lr;
	s5 =	simm.s32 $0xFFFFFFFF;
	p2 =	slt.u32 s8, $0xFFFFF086  }
0x1c: {  	p1 =	slt.u32 s9, $0xF7A;
	s5 =	simm.s32 @!p2 $0x0  }
0x1d: {  	s5 =	simm.s32 @p1 $0x1;
	p0 =	seq.s32 s7, s2  }
0x1e: {  	s7 =	smul.u32 @!p0 $0xF7A, s2;
	p2 =	seq.s32 @!p0 s5, $0x0  }
0x1f: {  	s9 =	smul.u32 $0xF7A, s1;
	s8 =	simm.s32 @!p0 $0x1BF5;
	p2 =	por !p2, p0  }
0x20: {  	[sflag:s8] =	ssyncset.s32 @!p0 $0xFFFFF086;
	s6 =	sadd.s32 @!p0 s3, s7;
	s7 =	simm.s32 @!p0 $0x108  }
0x21: {  	s3 =	sadd.s32 s3, s9;
	s6 =	sadd.s32 @!p0 $0x88, s6;
	s7 =	simm.s32 @p2 $0x1082  }
0x22: {  	[simem:s7], [sflag:s8] =	dma.local @!p0 [hbm:s6], $0xF7A  }
0x23: {  	s9 =	sor.u32 $0xD0000000, s2;
	s6 =	simm.s32 $0x108;
	_ =	swait.ge @!p0 [sflag:s8], $0x0  }
0x24: {  	s3 =	sadd.s32 $0x88, s3;
	s6 =	simm.s32 @!p1 $0x1082;
	[sflag:s4] =	ssyncset.s32 $0xFFFFF086  }
0x25: {  	[simem:s6], [sflag:s4] =	dma.local [hbm:s3], $0xF7A  }
0x26: {  	[smem:$0x3F9B] =	sst s1;
	(tag) =	ssettag s2;
	_ =	strace s9  }
0x27: {  	s1 =	sld [smem:$0x3FAB]  }
0x28: {  	s2 =	sld [smem:$0x3FAC]  }
0x29: {  	s4 =	sld [smem:$0x3FAE]  }
0x2a: {  	p0 =	seq.s32 s5, $0x0;
	s5 =	sld [smem:$0x3FAF]  }
0x2b: {  	s6 =	sld [smem:$0x3FB0]  }
0x2c: {  	s7 =	sld [smem:$0x3FB1]  }
0x2d: {  	s3 =	simm.s32 $0x108;
	s8 =	sld [smem:$0x3FB2]  }
0x2e: {  	s3 =	simm.s32 @!p0 $0x1082;
	s9 =	sld [smem:$0x3FB3]  }
0x2f: {  	lr =	sadd.s32 s0, s3;
	s0 =	sld [smem:$0x3FAA]  }
0x30: {  	s3 =	sld [smem:$0x3FAD]  }
0x31: {  	[smem:$0x3FB6] =	sst s10  }
0x32: {  	s10 =	sld [smem:$0x3FB4];
	_ =	sdelay $0x3  }
0x33: {  	p0 =	seq.s32 s10, $0x1;
	s10 =	sld [smem:$0x3FB6];
	_ =	sdelay $0x3  }
0x34: {  	[smem:$0x3FB6] =	sst s10  }
0x35: {  	s10 =	sld [smem:$0x3FB5];
	_ =	sdelay $0x3  }
0x36: {  	p1 =	seq.s32 s10, $0x1;
	s10 =	sld [smem:$0x3FB6];
	_ =	sdelay $0x3  }
0x37: {  	[smem:$0x3FB6] =	sst s10  }
0x38: {  	s10 =	sld [smem:$0x3FB7]  }
0x39: {  	_ = 	snop;
	(pc) =	sbr.ind lr, $3  }
0x3a: {  	_ = 	snop  }
0x3b: {  	_ = 	snop  }
0x3c: {  	p2 =	seq.s32 s10, $0x1;
	s10 =	sld [smem:$0x3FB6]  }
0x3d: {  	_ =	shalt  }
0x3e: {  	_ =	shalt  }
0x3f: {  	_ =	shalt  }
0x40: {  	_ =	shalt  }
0x41: {  	_ =	shalt  }
0x42: {  	_ =	shalt  }
0x43: {  	_ =	shalt  }
0x44: {  	_ =	shalt  }
0x45: {  	_ =	shalt  }
0x46: {  	_ =	shalt  }
0x47: {  	_ =	shalt  }
0x48: {  	_ =	shalt  }
0x49: {  	_ =	shalt  }
0x4a: {  	_ =	shalt  }
0x4b: {  	_ =	shalt  }
0x4c: {  	_ =	shalt  }
0x4d: {  	_ =	shalt  }
0x4e: {  	_ =	shalt  }
0x4f: {  	_ =	shalt  }
0x50: {  	_ =	shalt  }
0x51: {  	_ =	shalt  }
0x52: {  	_ =	shalt  }
0x53: {  	_ =	shalt  }
0x54: {  	_ =	shalt  }
0x55: {  	_ =	shalt  }
0x56: {  	_ =	shalt  }
0x57: {  	_ =	shalt  }
0x58: {  	_ =	shalt  }
0x59: {  	_ =	shalt  }
0x5a: {  	_ =	shalt  }
0x5b: {  	_ =	shalt  }
0x5c: {  	_ =	shalt  }
0x5d: {  	_ =	shalt  }
0x5e: {  	_ =	shalt  }
0x5f: {  	_ =	shalt  }
0x60: {  	_ =	shalt  }
0x61: {  	_ =	shalt  }
0x62: {  	_ =	shalt  }
0x63: {  	_ =	shalt  }
0x64: {  	_ =	shalt  }
0x65: {  	_ =	shalt  }
0x66: {  	_ =	shalt  }
0x67: {  	_ =	shalt  }
0x68: {  	_ =	shalt  }
0x69: {  	_ =	shalt  }
0x6a: {  	_ =	shalt  }
0x6b: {  	_ =	shalt  }
0x6c: {  	_ =	shalt  }
0x6d: {  	_ =	shalt  }
0x6e: {  	_ =	shalt  }
0x6f: {  	_ =	shalt  }
0x70: {  	_ =	shalt  }
0x71: {  	_ =	shalt  }
0x72: {  	_ =	shalt  }
0x73: {  	_ =	shalt  }
0x74: {  	_ =	shalt  }
0x75: {  	_ =	shalt  }
0x76: {  	_ =	shalt  }
0x77: {  	_ =	shalt  }
0x78: {  	_ =	shalt  }
0x79: {  	_ =	shalt  }
0x7a: {  	_ =	shalt  }
0x7b: {  	_ =	shalt  }
0x7c: {  	_ =	shalt  }
0x7d: {  	_ =	shalt  }
0x7e: {  	_ =	shalt  }
0x7f: {  	_ =	shalt  }
0x80: {  	_ =	shalt  }
0x81: {  	_ =	shalt  }
0x82: {  	_ =	shalt  }
0x83: {  	_ =	shalt  }
0x84: {  	_ =	shalt  }
0x85: {  	_ =	shalt  }
0x86: {  	_ =	shalt  }
0x87: {  	_ =	shalt  }
.Lfunc_end0:
.L_simem_size_0:
called_computation_lowered:
.L_overlay_start_0:
0x88: {  	s2 =	sld [smem:$0x3FD9]  }
0x89: {  	s3 =	sld [smem:$0x3FFE];
	_ =	sdelay $0x1  }
0x8a: {  	s1 =	srdreg.scid  }
0x8b: {  	s0 =	sand.u32 $0x1, s1  }
0x8c: {  	s17 =	sshll.u32 s0, $0xA;
	s2 =	sadd.s32 s3, s2  }
0x8d: {  	s2 =	sadd.s32 s2, s17  }
0x8e: {  	[smem:$0x3FC2] =	sst s2  }
0x8f: {  	_ = 	snop  }
0x90: {  	s2 =	sld [smem:$0x3FD0];
	(tm) =	ssettm $0x1  }
0x91: {  	s18 =	sld [smem:$0x3FFB];
	_ =	sdelay $0x3  }
0x92: {  	_ =	strace s18  }
0x93: {  	s3 =	sld [smem:$0x3FFC];
	_ =	sdelay $0x3  }
0x94: {  	_ =	strace s3  }
0x95: {  	s3 =	sld [smem:$0x3FFD];
	_ =	sdelay $0x3  }
0x96: {  	_ =	strace s3  }
0x97: {  	_ =	strace $0x8FFFFFFF  }
0x98: {  	s19 =	sld [smem:$0x3FDB];
	_ =	sdelay $0x1  }
0x99: {  	s4 =	simm.s32 $_scs_section_size  }
0x9a: {  	s5 =	simm.s32 $_size__tile_overlayer_lowered;
	s6 =	simm.s32 $_tile_overlayer_lowered  }
0x9b: {  	s22 =	simm.s32 $0x1BFF;
	s21 =	sshll.u32 s6, $0x1;
	s3 =	sadd.s32 s4, s19  }
0x9c: {  	s7 =	simm.s32 $0x0;
	s20 =	sshll.u32 s5, $0x1;
	s5 =	sadd.s32 s21, s3  }
0x9d: {  	[timem:s7], [sflag:s22] =	dma.local [hbm:s5], s20  }
0x9e: {  	_ =	swait.ge [sflag:s22], s20  }
0x9f: {  	s4 =	ssub.s32 $0x0, s20;
	[sflag:s22] =	ssyncset.done $0x0  }
0xa0: {  	[sflag:s22] =	ssyncadd.s32 s4;
	_ =	sdelay $0x1  }
0xa1: {  	s23 =	simm.s32 $0x1B8B  }
0xa2: {  	_ =	swait.ge [sflag:s23], $0x1  }
0xa3: {  	[sflag:s23] =	ssyncset.done $0x0  }
0xa4: {  	s25 =	simm.s32 $0x1B8E;
	s24 =	sld [smem:$0x3FFE];
	[sflag:s23] =	ssyncadd.s32 $0xFFFFFFFF  }
0xa5: {  	s26 =	simm.s32 $execute0_lowered;
	[smem:$0x3FD2] =	sst s25  }
0xa6: {  	s5 =	sshll.u32 s26, $0x1;
	_ =	strace $0x80000046;
	[dreg:$0x1] =	wrdreg $0xFFFFFFFF  }
0xa7: {  	s28 =	simm.s32 $_size_execute0_lowered;
	s3 =	sadd.s32 s3, s5;
	[dreg:$0x0] =	wrdreg $0x0  }
0xa8: {  	s5 =	sshll.u32 s28, $0x1;
	[dreg:$0x2] =	wrdreg s3  }
0xa9: {  	[dreg:$0x3] =	wrdreg s5  }
0xaa: {  	[dreg:$0x4] =	wrdreg $0xC0  }
0xab: {  	_ =	task [dreg:s7], $0x5FFFF  }
0xac: {  	[dreg:$0x1] =	wrdreg $0xFFFFFFFF  }
0xad: {  	[dreg:$0x0] =	wrdreg $0x60  }
0xae: {  	[dreg:$0x2] =	wrdreg s24  }
0xaf: {  	[dreg:$0x3] =	wrdreg s2  }
0xb0: {  	[dreg:$0x4] =	wrdreg $0x0  }
0xb1: {  	[dreg:$0x5] =	wrdreg $0x9  }
0xb2: {  	_ =	task.clear_ibuf [dreg:s7], $0x6FFFF;
	_ =	strace $0x90000046  }
0xb3: {  	s29 =	simm.s32 $0x9;
	_ =	strace $0x80000048  }
0xb4: {  	_ =	swait.ge [sflag:s29], $0x1  }
0xb5: {  	[sflag:s29] =	ssyncadd.s32 $0xFFFFFFFF  }
0xb6: {  	_ =	strace $0x90000048  }
0xb7: {  	_ =	sfence  }
0xb8: {  	s30 =	sld [smem:$0x0];
	_ =	sdelay $0x2  }
0xb9: {  	s31 =	sshll.u32 s1, $0xD;
	s1 =	sshrl.u32 s1, $0x2  }
0xba: {  	s3 =	sand.u32 $0x4000, s31;
	s1 =	sadd.s32 s1, s30  }
0xbb: {  	s0 =	sor.u32 s3, s0;
	s1 =	sshll.u32 s1, $0x11  }
0xbc: {  	s0 =	sor.u32 s1, s0  }
0xbd: {  	s0 =	sadd.s32 $0x8F2B, s0  }
0xbe: {  	[sflag:s0] =	ssyncadd.remote.s32 $0x1  }
0xbf: {  	_ =	sfence.sel $0xFFFF  }
0xc0: {  	[dreg:$0x0] =	wrdreg $0xFFFFFFFF;
	(pc) =	sbr.abs _section_cstart, $3  }
0xc1: {  	[dreg:$0x1] =	wrdreg $0xFFFFFFFF  }
0xc2: {  	_ =	task.clear_ibuf [dreg:s7], $0x2FFFF;
	_ =	strace $0x9FFFFFFF  }
0xc3: {  	(tm) =	ssettm $0x7FFFFFFF  }
tec
execute0_lowered:
.L_overlay_start_1:
0x0: {  	(tag) =	ssettag $0x1  }
0x1: {  	s5 =	rddreg [dreg:$0x0]  }
0x2: {  	s7 =	rddreg [dreg:$0x1]  }
0x3: {  	s0 =	srdreg.scid;
	s2 =	rddreg [dreg:$0x2]  }
0x4: {  	s3 =	simm.s32 $0x0;
	s13 =	simm.s32 $0x2A80;
	s14 =	simm.s32 $0x80  }
0x5: {  	s15 =	simm.s32 $0x300;
	s16 =	simm.s32 $0x380;
	s17 =	simm.s32 $0x400  }
0x6: {  	s18 =	simm.s32 $0x480;
	s19 =	simm.s32 $0x500;
	s20 =	simm.s32 $0x580  }
0x7: {  	s21 =	simm.s32 $0x600;
	s22 =	simm.s32 $0x1;
	s23 =	simm.s32 $0x0  }
0x8: {  	s4 =	sand.u32 $0x1, s0;
	s0 =	stileid.u32;
	[smem:$0x7FF] =	sst s3  }
0x9: {  	s1 =	sshll.u32 s4, $0x4;
	s8 =	smul.u32 $0x280, s0;
	s9 =	ssub.s32 $0x2, s4  }
0xa: {  	s10 =	smul.u32 $0x2800, s4;
	s4 =	sadd.s32 $0x16A00, s5;
	s31 =	sshll.u32 s0, $0x6  }
0xb: {  	s6 =	sor.u32 s0, s1;
	s1 =	rddreg [dreg:$0x3];
	s11 =	sshrl.u32 s9, $0x1  }
0xc: {  	_ =	strace $0x80000047;
	s6 =	smul.u32 $0x500, s6;
	s9 =	ssub.s32 s9, s11  }
0xd: {  	s10 =	sadd.s32 s8, s10;
	s12 =	sadd.s32 s8, s2;
	s11 =	sor.u32 $0x1C02, s31  }
0xe: {  	s30 =	sshrl.u32 s10, $0x3;
	s8 =	smax.u32 s9, $0x1;
	s9 =	simm.s32 $0x280  }
0xf: {  	s10 =	simm.s32 $0x2;
	s12 =	sshrl.u32 s12, $0x3;
	s6 =	sadd.s32 s6, s5  }
0x10: {  	s5 =	sadd.s32 $0x16800, s5;
	s7 =	sadd.s32 s7, s30;
	s6 =	sadd.s32 $0x2800, s6  }
.LBB2_1:
0x11: {  	[tilespmem:s9], [sflag:$0x2] =	stream.linear.gather [hbm4b:s6+s3], $0x2800, $0x38;
	[tilespmem:$0x2B00] =	vst v63  }
0x12: {  	_ =	swait.ge [sflag:s10], $0x2800  }
0x13: {  	[sflag:s10] =	ssyncset.done $0x0  }
0x14: {  	[sflag:s10] =	ssyncadd.s32 $0xFFFFD800  }
0x15: {  	[spmem:s12], [sflag:s11] =	dma.local [hbm:s4], $0x50  }
0x16: {  	_ =	swait.ge [sflag:s10], $0x50  }
0x17: {  	[sflag:s10] =	ssyncset.done $0x0  }
0x18: {  	[sflag:s10] =	ssyncadd.s32 $0xFFFFFFB0  }
0x19: {  	[tilespmem:s13], [sflag:$0x2] =	stream.linear.gather [hbm4b:s5+s3], $0x80, $0x38;
	[tilespmem:$0x2B00] =	vst v63  }
0x1a: {  	_ =	swait.ge [sflag:s10], $0x80  }
0x1b: {  	[sflag:s10] =	ssyncset.done $0x0  }
0x1c: {  	[sflag:s10] =	ssyncadd.s32 $0xFFFFFF80  }
0x1d: {  	[bflag:$0x0] =	sbarrier.arrive $0xFFFF  }
0x1e: {  	[spmem:s2] =	stream.indirect.scatter.add.f32 [tilespmem:s13], [sflag:$0x1], $0x1, s9, s14, $0xb8;
	[tilespmem:$0x2B00] =	vst v63  }
0x1f: {  	_ = 	snop  }
0x20: {  	[spmem:s2] =	stream.indirect.scatter.add.f32 [tilespmem:s13], [sflag:$0x1], $0x1, s15, s14, $0xb8;
	[tilespmem:$0x2B00] =	vst v63  }
0x21: {  	_ = 	snop  }
0x22: {  	[spmem:s2] =	stream.indirect.scatter.add.f32 [tilespmem:s13], [sflag:$0x1], $0x1, s16, s14, $0xb8;
	[tilespmem:$0x2B00] =	vst v63  }
0x23: {  	_ = 	snop  }
0x24: {  	[spmem:s2] =	stream.indirect.scatter.add.f32 [tilespmem:s13], [sflag:$0x1], $0x1, s17, s14, $0xb8;
	[tilespmem:$0x2B00] =	vst v63  }
0x25: {  	_ = 	snop  }
0x26: {  	[spmem:s2] =	stream.indirect.scatter.add.f32 [tilespmem:s13], [sflag:$0x1], $0x1, s18, s14, $0xb8;
	[tilespmem:$0x2B00] =	vst v63  }
0x27: {  	_ = 	snop  }
0x28: {  	[spmem:s2] =	stream.indirect.scatter.add.f32 [tilespmem:s13], [sflag:$0x1], $0x1, s19, s14, $0xb8;
	[tilespmem:$0x2B00] =	vst v63  }
0x29: {  	_ = 	snop  }
0x2a: {  	[spmem:s2] =	stream.indirect.scatter.add.f32 [tilespmem:s13], [sflag:$0x1], $0x1, s20, s14, $0xb8;
	[tilespmem:$0x2B00] =	vst v63  }
0x2b: {  	_ = 	snop  }
0x2c: {  	[spmem:s2] =	stream.indirect.scatter.add.f32 [tilespmem:s13], [sflag:$0x1], $0x1, s21, s14, $0xb8;
	[tilespmem:$0x2B00] =	vst v63  }
0x2d: {  	s24 =	simm.s32 $0x680  }
0x2e: {  	[spmem:s2] =	stream.indirect.scatter.add.f32 [tilespmem:s13], [sflag:$0x1], $0x1, s24, s14, $0xb8;
	[tilespmem:$0x2B00] =	vst v63  }
0x2f: {  	s30 =	simm.s32 $0x700  }
0x30: {  	[spmem:s2] =	stream.indirect.scatter.add.f32 [tilespmem:s13], [sflag:$0x1], $0x1, s30, s14, $0xb8;
	[tilespmem:$0x2B00] =	vst v63  }
0x31: {  	s31 =	simm.s32 $0x780  }
0x32: {  	[spmem:s2] =	stream.indirect.scatter.add.f32 [tilespmem:s13], [sflag:$0x1], $0x1, s31, s14, $0xb8;
	[tilespmem:$0x2B00] =	vst v63  }
0x33: {  	s25 =	simm.s32 $0x800  }
0x34: {  	[spmem:s2] =	stream.indirect.scatter.add.f32 [tilespmem:s13], [sflag:$0x1], $0x1, s25, s14, $0xb8;
	[tilespmem:$0x2B00] =	vst v63  }
0x35: {  	s26 =	simm.s32 $0x880  }
0x36: {  	[spmem:s2] =	stream.indirect.scatter.add.f32 [tilespmem:s13], [sflag:$0x1], $0x1, s26, s14, $0xb8;
	[tilespmem:$0x2B00] =	vst v63  }
0x37: {  	s29 =	simm.s32 $0x900  }
0x38: {  	[spmem:s2] =	stream.indirect.scatter.add.f32 [tilespmem:s13], [sflag:$0x1], $0x1, s29, s14, $0xb8;
	[tilespmem:$0x2B00] =	vst v63  }
0x39: {  	s30 =	simm.s32 $0x980  }
0x3a: {  	[spmem:s2] =	stream.indirect.scatter.add.f32 [tilespmem:s13], [sflag:$0x1], $0x1, s30, s14, $0xb8;
	[tilespmem:$0x2B00] =	vst v63  }
0x3b: {  	s31 =	simm.s32 $0xA00  }
0x3c: {  	[spmem:s2] =	stream.indirect.scatter.add.f32 [tilespmem:s13], [sflag:$0x1], $0x1, s31, s14, $0xb8;
	[tilespmem:$0x2B00] =	vst v63  }
0x3d: {  	_ =	swait.ge [sflag:s22], $0x80  }
0x3e: {  	[sflag:s22] =	ssyncset.done $0x0  }
0x3f: {  	[sflag:s22] =	ssyncadd.s32 $0xFFFFFF80  }
0x40: {  	_ =	swait.ge [sflag:s22], $0x80  }
0x41: {  	[sflag:s22] =	ssyncset.done $0x0  }
0x42: {  	[sflag:s22] =	ssyncadd.s32 $0xFFFFFF80  }
0x43: {  	_ =	swait.ge [sflag:s22], $0x80  }
0x44: {  	[sflag:s22] =	ssyncset.done $0x0  }
0x45: {  	[sflag:s22] =	ssyncadd.s32 $0xFFFFFF80  }
0x46: {  	_ =	swait.ge [sflag:s22], $0x80  }
0x47: {  	[sflag:s22] =	ssyncset.done $0x0  }
0x48: {  	[sflag:s22] =	ssyncadd.s32 $0xFFFFFF80  }
0x49: {  	_ =	swait.ge [sflag:s22], $0x80  }
0x4a: {  	[sflag:s22] =	ssyncset.done $0x0  }
0x4b: {  	[sflag:s22] =	ssyncadd.s32 $0xFFFFFF80  }
0x4c: {  	_ =	swait.ge [sflag:s22], $0x80  }
0x4d: {  	[sflag:s22] =	ssyncset.done $0x0  }
0x4e: {  	[sflag:s22] =	ssyncadd.s32 $0xFFFFFF80  }
0x4f: {  	_ =	swait.ge [sflag:s22], $0x80  }
0x50: {  	[sflag:s22] =	ssyncset.done $0x0  }
0x51: {  	[sflag:s22] =	ssyncadd.s32 $0xFFFFFF80  }
0x52: {  	_ =	swait.ge [sflag:s22], $0x80  }
0x53: {  	s28 =	simm.s32 $0x2000;
	s26 =	simm.s32 $0x400;
	[sflag:s22] =	ssyncset.done $0x0  }
.LBB2_2:
0x54: {  	s29 =	sadd.s32 $0x680, s26  }
0x55: {  	[sflag:s22] =	ssyncadd.s32 $0xFFFFFF80;
	s25 =	smov.u32 s28;
	s24 =	sadd.s32 $0x1000, s28  }
0x56: {  	[spmem:s2] =	stream.indirect.scatter.add.f32 [tilespmem:s13], [sflag:$0x1], $0x1, s29, s14, $0xb8;
	[tilespmem:$0x2B00] =	vst v63  }
0x57: {  	p0 =	sne.s32 s28, $0x8000;
	s28 =	sadd.s32 $0x700, s26  }
0x58: {  	[spmem:s2] =	stream.indirect.scatter.add.f32 [tilespmem:s13], [sflag:$0x1], $0x1, s28, s14, $0xb8;
	[tilespmem:$0x2B00] =	vst v63  }
0x59: {  	s28 =	sadd.s32 $0x780, s26  }
0x5a: {  	[spmem:s2] =	stream.indirect.scatter.add.f32 [tilespmem:s13], [sflag:$0x1], $0x1, s28, s14, $0xb8;
	[tilespmem:$0x2B00] =	vst v63  }
0x5b: {  	s28 =	sadd.s32 $0x800, s26  }
0x5c: {  	[spmem:s2] =	stream.indirect.scatter.add.f32 [tilespmem:s13], [sflag:$0x1], $0x1, s28, s14, $0xb8;
	[tilespmem:$0x2B00] =	vst v63  }
0x5d: {  	s28 =	sadd.s32 $0x880, s26  }
0x5e: {  	[spmem:s2] =	stream.indirect.scatter.add.f32 [tilespmem:s13], [sflag:$0x1], $0x1, s28, s14, $0xb8;
	[tilespmem:$0x2B00] =	vst v63  }
0x5f: {  	s28 =	sadd.s32 $0x900, s26  }
0x60: {  	[spmem:s2] =	stream.indirect.scatter.add.f32 [tilespmem:s13], [sflag:$0x1], $0x1, s28, s14, $0xb8;
	[tilespmem:$0x2B00] =	vst v63  }
0x61: {  	s28 =	sadd.s32 $0x980, s26  }
0x62: {  	[spmem:s2] =	stream.indirect.scatter.add.f32 [tilespmem:s13], [sflag:$0x1], $0x1, s28, s14, $0xb8;
	[tilespmem:$0x2B00] =	vst v63  }
0x63: {  	s26 =	sadd.s32 $0xA00, s26  }
0x64: {  	[spmem:s2] =	stream.indirect.scatter.add.f32 [tilespmem:s13], [sflag:$0x1], $0x1, s26, s14, $0xb8;
	[tilespmem:$0x2B00] =	vst v63  }
0x65: {  	_ =	swait.ge [sflag:s22], $0x80  }
0x66: {  	[sflag:s22] =	ssyncset.done $0x0  }
0x67: {  	[sflag:s22] =	ssyncadd.s32 $0xFFFFFF80  }
0x68: {  	_ =	swait.ge [sflag:s22], $0x80  }
0x69: {  	[sflag:s22] =	ssyncset.done $0x0  }
0x6a: {  	[sflag:s22] =	ssyncadd.s32 $0xFFFFFF80  }
0x6b: {  	_ =	swait.ge [sflag:s22], $0x80  }
0x6c: {  	[sflag:s22] =	ssyncset.done $0x0  }
0x6d: {  	[sflag:s22] =	ssyncadd.s32 $0xFFFFFF80  }
0x6e: {  	_ =	swait.ge [sflag:s22], $0x80  }
0x6f: {  	[sflag:s22] =	ssyncset.done $0x0  }
0x70: {  	[sflag:s22] =	ssyncadd.s32 $0xFFFFFF80  }
0x71: {  	_ =	swait.ge [sflag:s22], $0x80  }
0x72: {  	[sflag:s22] =	ssyncset.done $0x0  }
0x73: {  	[sflag:s22] =	ssyncadd.s32 $0xFFFFFF80  }
0x74: {  	_ =	swait.ge [sflag:s22], $0x80  }
0x75: {  	[sflag:s22] =	ssyncset.done $0x0  }
0x76: {  	[sflag:s22] =	ssyncadd.s32 $0xFFFFFF80  }
.Ltmp0:
0x77: {  	_ =	swait.ge [sflag:s22], $0x80;
	(pc) =	sbr.rel @p0 .LBB2_2-.Ltmp0, $4  }
0x78: {  	[sflag:s22] =	ssyncset.done $0x0  }
0x79: {  	[sflag:s22] =	ssyncadd.s32 $0xFFFFFF80  }
0x7a: {  	_ =	swait.ge [sflag:s22], $0x80  }
0x7b: {  	s28 =	smov.u32 s24;
	s26 =	sshra.s32 s25, $0x2;
	[sflag:s22] =	ssyncset.done $0x0  }
0x7c: {  	s24 =	sadd.s32 $0x680, s26;
	[sflag:s22] =	ssyncadd.s32 $0xFFFFFF80  }
0x7d: {  	[spmem:s2] =	stream.indirect.scatter.add.f32 [tilespmem:s13], [sflag:$0x1], $0x1, s24, s14, $0xb8;
	[tilespmem:$0x2B00] =	vst v63  }
0x7e: {  	s30 =	sadd.s32 $0x700, s26  }
0x7f: {  	[spmem:s2] =	stream.indirect.scatter.add.f32 [tilespmem:s13], [sflag:$0x1], $0x1, s30, s14, $0xb8;
	[tilespmem:$0x2B00] =	vst v63  }
0x80: {  	s31 =	sadd.s32 $0x780, s26  }
0x81: {  	[spmem:s2] =	stream.indirect.scatter.add.f32 [tilespmem:s13], [sflag:$0x1], $0x1, s31, s14, $0xb8;
	[tilespmem:$0x2B00] =	vst v63  }
0x82: {  	s25 =	sadd.s32 $0x800, s26  }
0x83: {  	[spmem:s2] =	stream.indirect.scatter.add.f32 [tilespmem:s13], [sflag:$0x1], $0x1, s25, s14, $0xb8;
	[tilespmem:$0x2B00] =	vst v63  }
0x84: {  	s28 =	sadd.s32 $0x880, s26  }
0x85: {  	[spmem:s2] =	stream.indirect.scatter.add.f32 [tilespmem:s13], [sflag:$0x1], $0x1, s28, s14, $0xb8;
	[tilespmem:$0x2B00] =	vst v63  }
0x86: {  	s29 =	sadd.s32 $0x900, s26  }
0x87: {  	[spmem:s2] =	stream.indirect.scatter.add.f32 [tilespmem:s13], [sflag:$0x1], $0x1, s29, s14, $0xb8;
	[tilespmem:$0x2B00] =	vst v63  }
0x88: {  	s30 =	sadd.s32 $0x980, s26  }
0x89: {  	[spmem:s2] =	stream.indirect.scatter.add.f32 [tilespmem:s13], [sflag:$0x1], $0x1, s30, s14, $0xb8;
	[tilespmem:$0x2B00] =	vst v63  }
0x8a: {  	s31 =	sadd.s32 $0xA00, s26  }
0x8b: {  	[spmem:s2] =	stream.indirect.scatter.add.f32 [tilespmem:s13], [sflag:$0x1], $0x1, s31, s14, $0xb8;
	[tilespmem:$0x2B00] =	vst v63  }
0x8c: {  	_ =	swait.ge [sflag:s22], $0x80  }
0x8d: {  	[sflag:s22] =	ssyncset.done $0x0  }
0x8e: {  	[sflag:s22] =	ssyncadd.s32 $0xFFFFFF80  }
0x8f: {  	_ =	swait.ge [sflag:s22], $0x80  }
0x90: {  	[sflag:s22] =	ssyncset.done $0x0  }
0x91: {  	[sflag:s22] =	ssyncadd.s32 $0xFFFFFF80  }
0x92: {  	_ =	swait.ge [sflag:s22], $0x80  }
0x93: {  	[sflag:s22] =	ssyncset.done $0x0  }
0x94: {  	[sflag:s22] =	ssyncadd.s32 $0xFFFFFF80  }
0x95: {  	_ =	swait.ge [sflag:s22], $0x80  }
0x96: {  	[sflag:s22] =	ssyncset.done $0x0  }
0x97: {  	[sflag:s22] =	ssyncadd.s32 $0xFFFFFF80  }
0x98: {  	_ =	swait.ge [sflag:s22], $0x80  }
0x99: {  	[sflag:s22] =	ssyncset.done $0x0  }
0x9a: {  	[sflag:s22] =	ssyncadd.s32 $0xFFFFFF80  }
0x9b: {  	_ =	swait.ge [sflag:s22], $0x80  }
0x9c: {  	[sflag:s22] =	ssyncset.done $0x0  }
0x9d: {  	[sflag:s22] =	ssyncadd.s32 $0xFFFFFF80  }
0x9e: {  	_ =	swait.ge [sflag:s22], $0x80  }
0x9f: {  	[sflag:s22] =	ssyncset.done $0x0  }
0xa0: {  	[sflag:s22] =	ssyncadd.s32 $0xFFFFFF80  }
0xa1: {  	_ =	swait.ge [sflag:s22], $0x80  }
0xa2: {  	[sflag:s22] =	ssyncset.done $0x0  }
0xa3: {  	[sflag:s22] =	ssyncadd.s32 $0xFFFFFF80  }
0xa4: {  	_ =	swait.ge [sflag:s22], $0x80  }
0xa5: {  	[sflag:s22] =	ssyncset.done $0x0  }
0xa6: {  	[sflag:s22] =	ssyncadd.s32 $0xFFFFFF80  }
0xa7: {  	_ =	swait.ge [sflag:s22], $0x80  }
0xa8: {  	[sflag:s22] =	ssyncset.done $0x0  }
0xa9: {  	[sflag:s22] =	ssyncadd.s32 $0xFFFFFF80  }
0xaa: {  	_ =	swait.ge [sflag:s22], $0x80  }
0xab: {  	[sflag:s22] =	ssyncset.done $0x0  }
0xac: {  	[sflag:s22] =	ssyncadd.s32 $0xFFFFFF80  }
0xad: {  	_ =	swait.ge [sflag:s22], $0x80  }
0xae: {  	[sflag:s22] =	ssyncset.done $0x0  }
0xaf: {  	[sflag:s22] =	ssyncadd.s32 $0xFFFFFF80  }
0xb0: {  	_ =	swait.ge [sflag:s22], $0x80  }
0xb1: {  	[sflag:s22] =	ssyncset.done $0x0  }
0xb2: {  	[sflag:s22] =	ssyncadd.s32 $0xFFFFFF80  }
0xb3: {  	_ =	swait.ge [sflag:s22], $0x80  }
0xb4: {  	[sflag:s22] =	ssyncset.done $0x0  }
0xb5: {  	[sflag:s22] =	ssyncadd.s32 $0xFFFFFF80  }
0xb6: {  	_ =	swait.ge [sflag:s22], $0x80  }
0xb7: {  	[sflag:s22] =	ssyncset.done $0x0  }
0xb8: {  	[sflag:s22] =	ssyncadd.s32 $0xFFFFFF80  }
0xb9: {  	_ =	swait.ge [sflag:s22], $0x80  }
0xba: {  	s23 =	sadd.s32 $0x1, s23;
	[sflag:s22] =	ssyncset.done $0x0  }
0xbb: {  	p0 =	sne.s32 s23, s8;
	[sflag:s22] =	ssyncadd.s32 $0xFFFFFF80  }
.Ltmp1:
0xbc: {  	[bflag:$0x0] =	sbarrier.arrive $0xFFFF;
	(pc) =	sbr.rel @p0 .LBB2_1-.Ltmp1, $4  }
0xbd: {  	[hbm:s7], [sflag:s11] =	dma.local [spmem:s12], $0x50  }
0xbe: {  	_ =	swait.ge [sflag:s10], $0x50  }
0xbf: {  	[sflag:s10] =	ssyncset.done $0x0  }
0xc0: {  	[sflag:s10] =	ssyncadd.s32 $0xFFFFFFB0  }
0xc1: {  	_ =	sfence.sel $0x180000  }
0xc2: {  	[bflag:$0x0] =	sbarrier.arrive $0xFFFF  }
0xc3: {  	p0 =	sne.s32 s0, $0x0;
	_ =	strace $0x90000047  }
0xc4: {  	s0 =	sadd.s32 @!p0 $0x100000, s1;
	[bflag:$0x2] =	sbarrier.arrive $0xFFFF  }
0xc5: {  	[sflag:s0] =	ssyncadd.tile.s32 @!p0 $0x1;
	_ =	shalt  }
.Lfunc_end2:
_tile_overlayer_lowered:
.L_overlay_start_2:
0xc6: {  	(tag) =	ssettag $0x2  }
0xc7: {  	s0 =	rddreg [dreg:$0x0];
	s2 =	stileid.u32  }
0xc8: {  	s1 =	rddreg [dreg:$0x1];
	p0 =	sne.s32 s2, $0x0  }
0xc9: {  	s3 =	rddreg [dreg:$0x2];
	[bflag:$0x3] =	sbarrier.arrive $0xFFFF;
	s2 =	simm.s32 @!p0 $0x1C02  }
0xca: {  	[timem:s3], [sflag:s2] =	dma.local @!p0 [hbm:s0], s1  }
0xcb: {  	s0 =	simm.s32 @!p0 $0x2  }
0xcc: {  	_ =	swait.ge @!p0 [sflag:s0], s1  }
0xcd: {  	s1 =	ssub.s32 @!p0 $0x0, s1;
	[sflag:s0] =	ssyncset.done @!p0 $0x0  }
0xce: {  	[sflag:s0] =	ssyncadd.s32 @!p0 s1  }
0xcf: {  	[bflag:$0x3] =	sbarrier.arrive $0xFFFF  }
0xd0: {  	_ =	shalt  }

</sc_bundles>
